<compile_context>
chip_gen: v7x
topology: tpu7x:2x2x1
jax: 0.10.2.dev20260603
libtpu: 0.0.44.dev20260713+nightly
codegen_flags: <defaults>
</compile_context>

<pallas_src>
import functools

import jax
import jax.numpy as jnp
from jax import lax
from jax.experimental import pallas as pl
from jax.experimental.pallas import tpu as pltpu
from jax.experimental.pallas import tpu_sc as plsc

_NUM_CORES = 2
_NUM_SUBCORES = 16
_NUM_WORKERS = _NUM_CORES * _NUM_SUBCORES

_NBUF = 4


def _emb_lookup(b, s, d, *, chunk):
    total = b * s
    b_per_w = total // _NUM_WORKERS
    n_chunks = b_per_w // chunk
    w_per_row = s // b_per_w

    mesh = plsc.VectorSubcoreMesh(core_axis_name="c", subcore_axis_name="s")

    @functools.partial(
        pl.kernel,
        mesh=mesh,
        out_type=jax.ShapeDtypeStruct((b, s, d), jnp.float32),
        scratch_types=[
            pltpu.VMEM((b_per_w,), jnp.int32),
            [pltpu.VMEM((chunk, d), jnp.float32) for _ in range(_NBUF)],
            pltpu.SemaphoreType.DMA,
            pltpu.SemaphoreType.DMA,
            pltpu.SemaphoreType.DMA,
        ],
    )
    def emb(x_hbm, table_hbm, out_hbm, idx_v, bufs, gsem, osem, ssem):
        wid = lax.axis_index("s") * _NUM_CORES + lax.axis_index("c")
        row = wid // w_per_row
        col = (wid % w_per_row) * b_per_w
        head = _NBUF * chunk
        pltpu.sync_copy(x_hbm.at[row, pl.ds(col, head)], idx_v.at[pl.ds(0, head)])
        rest = pltpu.async_copy(
            x_hbm.at[row, pl.ds(col + head, b_per_w - head)],
            idx_v.at[pl.ds(head, b_per_w - head)],
            ssem,
        )

        def gather(j, buf):
            return pltpu.async_copy(
                table_hbm.at[idx_v.at[pl.ds(j * chunk, chunk)]], buf, gsem
            )

        def write(j, buf):
            return pltpu.async_copy(
                buf, out_hbm.at[row, pl.ds(col + j * chunk, chunk)], osem
            )

        for j in range(_NBUF - 1):
            gather(j, bufs[j])
        pltpu.make_async_copy(
            table_hbm.at[idx_v.at[pl.ds(0, chunk)]], bufs[0], gsem
        ).wait()
        gather(_NBUF - 1, bufs[_NBUF - 1])
        write(0, bufs[0])
        rest.wait()

        n_steady = n_chunks - _NBUF
        @pl.loop(1, n_steady + 1, step=_NBUF)
        def _steady(j0):
            for t in range(_NBUF):
                j = j0 + t
                buf = bufs[(t + 1) % _NBUF]
                prev_buf = bufs[t % _NBUF]
                pltpu.make_async_copy(
                    table_hbm.at[idx_v.at[pl.ds(0, chunk)]], buf, gsem
                ).wait()
                pltpu.make_async_copy(
                    prev_buf, out_hbm.at[row, pl.ds(col, chunk)], osem
                ).wait()
                gather(j + _NBUF - 1, prev_buf)
                write(j, buf)

        for j in range(n_chunks - _NBUF + 1, n_chunks):
            buf = bufs[j % _NBUF]
            pltpu.make_async_copy(
                table_hbm.at[idx_v.at[pl.ds(0, chunk)]], buf, gsem
            ).wait()
            write(j, buf)
        for j in range(n_chunks - _NBUF, n_chunks):
            buf = bufs[j % _NBUF]
            pltpu.make_async_copy(
                buf, out_hbm.at[row, pl.ds(col, chunk)], osem
            ).wait()

    return emb


def kernel(x, table):
    b, s = x.shape
    d = table.shape[1]
    return _emb_lookup(b, s, d, chunk=32)(x, table)

# --- scband reference (transcript-rebuilt; emitter-appended) ---
"""Pipeline reference for scband-word-embedding-10728828306030 (READ-ONLY COPY).

The authoritative reference and input builder live on the scoring server;
editing this copy changes nothing except your own understanding.
"""

import jax, jax.numpy as jnp
import numpy as np

VOCAB = 32128
EMBED_DIM = 768
BATCH = 4
SEQ = 8192

def setup_inputs(seed: int = 0) -> dict:
    key = jax.random.key(seed)
    k_idx, k_tab = jax.random.split(key)
    x = jax.random.randint(k_idx, (BATCH, SEQ), 0, VOCAB, dtype=jnp.int64 if jax.config.read('jax_enable_x64') else jnp.int32)
    table = jax.random.normal(k_tab, (VOCAB, EMBED_DIM), dtype=jnp.float32) * 0.02
    return {"x": x, "table": table}

def reference(x, table):
    # WordEmbedding.forward: nn.Embed lookup -> table[idx]
    return jnp.take(table, x, axis=0)

if __name__ == "__main__":
    import jax
    _d = setup_inputs()
    print(jax.jit(kernel)(*tuple(_d.values())))

</pallas_src>

<mosaic_0001>
#map = affine_map<(d0, d1) -> (0, 0)>
#map1 = affine_map<(d0, d1) -> (0, 0, 0)>
module attributes {stable_mosaic.version = 14 : i64} {
  func.func @emb(%arg0: i32, %arg1: i32, %arg2: memref<4x8192xi32, #tpu.memory_space<hbm>>, %arg3: memref<32128x768xf32, #tpu.memory_space<hbm>>, %arg4: memref<4x8192x768xf32, #tpu.memory_space<hbm>>, %arg5: memref<1024xi32, #tpu.memory_space<vmem>>, %arg6: memref<32x768xf32, #tpu.memory_space<vmem>>, %arg7: memref<32x768xf32, #tpu.memory_space<vmem>>, %arg8: memref<32x768xf32, #tpu.memory_space<vmem>>, %arg9: memref<32x768xf32, #tpu.memory_space<vmem>>, %arg10: memref<!tpu.dma_semaphore, #tpu.memory_space<semaphore_mem>>, %arg11: memref<!tpu.dma_semaphore, #tpu.memory_space<semaphore_mem>>, %arg12: memref<!tpu.dma_semaphore, #tpu.memory_space<semaphore_mem>>) attributes {dimension_semantics = [#tpu.dimension_semantics<core_parallel>, #tpu.dimension_semantics<subcore_parallel>], iteration_bounds = array<i64: 2, 16>, scalar_prefetch = 0 : i64, scratch_operands = 8 : i64, tpu.core_type = #tpu.core_type<sc_vector_subcore>, window_params = [{transform_indices = #map}, {transform_indices = #map}, {transform_indices = #map1}]} {
    %mul3A = arith.constant 2 : i32
    %mul3A_0 = arith.muli %arg1, %mul3A : i32
    %add3A = arith.addi %mul3A_0, %arg0 : i32
    %jit3A = arith.constant 8 : i32
    %div3A = arith.divsi %add3A, %jit3A : i32
    %sign3A = arith.constant 0 : i32
    %sign3A_1 = arith.cmpi sgt, %add3A, %sign3A : i32
    %sign3A_2 = arith.extui %sign3A_1 : i1 to i32
    %sign3A_3 = arith.constant 0 : i32
    %sign3A_4 = arith.cmpi slt, %add3A, %sign3A_3 : i32
    %sign3A_5 = arith.extui %sign3A_4 : i1 to i32
    %sign3A_6 = arith.subi %sign3A_2, %sign3A_5 : i32
    %sign3A_7 = arith.constant 0 : i32
    %sign3A_8 = arith.cmpi sgt, %jit3A, %sign3A_7 : i32
    %sign3A_9 = arith.extui %sign3A_8 : i1 to i32
    %sign3A_10 = arith.constant 0 : i32
    %sign3A_11 = arith.cmpi slt, %jit3A, %sign3A_10 : i32
    %sign3A_12 = arith.extui %sign3A_11 : i1 to i32
    %sign3A_13 = arith.subi %sign3A_9, %sign3A_12 : i32
    %ne3A = arith.cmpi ne, %sign3A_6, %sign3A_13 : i32
    %rem3A = arith.remsi %add3A, %jit3A : i32
    %ne3A_14 = arith.constant 0 : i32
    %ne3A_15 = arith.cmpi ne, %rem3A, %ne3A_14 : i32
    %and3A = arith.andi %ne3A, %ne3A_15 : i1
    %sub3A = arith.constant 1 : i32
    %sub3A_16 = arith.subi %div3A, %sub3A : i32
    %select_n3A = arith.select %and3A, %sub3A_16, %div3A : i32
    %jit3A_17 = arith.constant 8 : i32
    %eq3A = arith.constant 0 : i32
    %eq3A_18 = arith.cmpi eq, %jit3A_17, %eq3A : i32
    %jit3A_19 = arith.constant 1 : i32
    %select_n3A_20 = arith.select %eq3A_18, %jit3A_19, %jit3A_17 : i32
    %rem3A_21 = arith.remsi %add3A, %select_n3A_20 : i32
    %ne3A_22 = arith.constant 0 : i32
    %ne3A_23 = arith.cmpi ne, %rem3A_21, %ne3A_22 : i32
    %lt3A = arith.constant 0 : i32
    %lt3A_24 = arith.cmpi slt, %rem3A_21, %lt3A : i32
    %lt3A_25 = arith.constant 0 : i32
    %lt3A_26 = arith.cmpi slt, %select_n3A_20, %lt3A_25 : i32
    %ne3A_27 = arith.xori %lt3A_24, %lt3A_26 : i1
    %and3A_28 = arith.andi %ne3A_27, %ne3A_23 : i1
    %add3A_29 = arith.addi %rem3A_21, %select_n3A_20 : i32
    %select_n3A_30 = arith.select %and3A_28, %add3A_29, %rem3A_21 : i32
    %mul3A_31 = arith.constant 1024 : i32
    %mul3A_32 = arith.muli %select_n3A_30, %mul3A_31 : i32
    "tpu.region"() ({
      %run_scoped3A = tpu.sem_alloc : memref<!tpu.dma_semaphore, #tpu.memory_space<semaphore_mem>>
      %dma_start3A_149 = arith.constant 0 : i32
      %dma_start3A_150 = tpu.memref_slice %arg5[%dma_start3A_149] : memref<1024xi32, #tpu.memory_space<vmem>> -> memref<128xi32, #tpu.memory_space<vmem>>
      %dma_start3A_151 = tpu.memref_slice %arg2[%select_n3A, %mul3A_32] : memref<4x8192xi32, #tpu.memory_space<hbm>> -> memref<1x128xi32, #tpu.memory_space<hbm>>
      %dma_start3A_152 = tpu.memref_squeeze %dma_start3A_151 : memref<1x128xi32, #tpu.memory_space<hbm>> -> memref<128xi32, #tpu.memory_space<hbm>>
      %dma_start3A_153 = arith.constant 0 : i32
      %dma_start3A_154 = tpu.memref_slice %arg5[%dma_start3A_153] : memref<1024xi32, #tpu.memory_space<vmem>> -> memref<128xi32, #tpu.memory_space<vmem>>
      %dma_start3A_155 = tpu.memref_slice %arg2[%select_n3A, %mul3A_32] : memref<4x8192xi32, #tpu.memory_space<hbm>> -> memref<1x128xi32, #tpu.memory_space<hbm>>
      %dma_start3A_156 = tpu.memref_squeeze %dma_start3A_155 : memref<1x128xi32, #tpu.memory_space<hbm>> -> memref<128xi32, #tpu.memory_space<hbm>>
      tpu.enqueue_dma source(%dma_start3A_156 : memref<128xi32, #tpu.memory_space<hbm>>) target(%dma_start3A_154 : memref<128xi32, #tpu.memory_space<vmem>>) target_semaphore(%run_scoped3A : memref<!tpu.dma_semaphore, #tpu.memory_space<semaphore_mem>>)
      %dma_wait3A_157 = arith.constant 0 : i32
      %dma_wait3A_158 = tpu.memref_slice %arg5[%dma_wait3A_157] : memref<1024xi32, #tpu.memory_space<vmem>> -> memref<128xi32, #tpu.memory_space<vmem>>
      %dma_wait3A_159 = tpu.memref_slice %arg2[%select_n3A, %mul3A_32] : memref<4x8192xi32, #tpu.memory_space<hbm>> -> memref<1x128xi32, #tpu.memory_space<hbm>>
      %dma_wait3A_160 = tpu.memref_squeeze %dma_wait3A_159 : memref<1x128xi32, #tpu.memory_space<hbm>> -> memref<128xi32, #tpu.memory_space<hbm>>
      %dma_wait3A_161 = arith.constant 0 : i32
      %dma_wait3A_162 = tpu.memref_slice %arg5[%dma_wait3A_161] : memref<1024xi32, #tpu.memory_space<vmem>> -> memref<128xi32, #tpu.memory_space<vmem>>
      %dma_wait3A_163 = tpu.memref_slice %arg2[%select_n3A, %mul3A_32] : memref<4x8192xi32, #tpu.memory_space<hbm>> -> memref<1x128xi32, #tpu.memory_space<hbm>>
      %dma_wait3A_164 = tpu.memref_squeeze %dma_wait3A_163 : memref<1x128xi32, #tpu.memory_space<hbm>> -> memref<128xi32, #tpu.memory_space<hbm>>
      tpu.wait_dma2 semaphore(%run_scoped3A : memref<!tpu.dma_semaphore, #tpu.memory_space<semaphore_mem>>) src(%dma_wait3A_164 : memref<128xi32, #tpu.memory_space<hbm>>) dst(%dma_wait3A_162 : memref<128xi32, #tpu.memory_space<vmem>>)
      tpu.yield
    }) : () -> ()
    %add3A_33 = arith.constant 128 : i32
    %add3A_34 = arith.addi %mul3A_32, %add3A_33 : i32
    %dma_start3A = arith.constant 128 : i32
    %dma_start3A_35 = tpu.memref_slice %arg5[%dma_start3A] : memref<1024xi32, #tpu.memory_space<vmem>> -> memref<896xi32, #tpu.memory_space<vmem>>
    %dma_start3A_36 = tpu.memref_slice %arg2[%select_n3A, %add3A_34] : memref<4x8192xi32, #tpu.memory_space<hbm>> -> memref<1x896xi32, #tpu.memory_space<hbm>>
    %dma_start3A_37 = tpu.memref_squeeze %dma_start3A_36 : memref<1x896xi32, #tpu.memory_space<hbm>> -> memref<896xi32, #tpu.memory_space<hbm>>
    %dma_start3A_38 = arith.constant 128 : i32
    %dma_start3A_39 = tpu.memref_slice %arg5[%dma_start3A_38] : memref<1024xi32, #tpu.memory_space<vmem>> -> memref<896xi32, #tpu.memory_space<vmem>>
    %dma_start3A_40 = tpu.memref_slice %arg2[%select_n3A, %add3A_34] : memref<4x8192xi32, #tpu.memory_space<hbm>> -> memref<1x896xi32, #tpu.memory_space<hbm>>
    %dma_start3A_41 = tpu.memref_squeeze %dma_start3A_40 : memref<1x896xi32, #tpu.memory_space<hbm>> -> memref<896xi32, #tpu.memory_space<hbm>>
    tpu.enqueue_dma source(%dma_start3A_41 : memref<896xi32, #tpu.memory_space<hbm>>) target(%dma_start3A_39 : memref<896xi32, #tpu.memory_space<vmem>>) target_semaphore(%arg12 : memref<!tpu.dma_semaphore, #tpu.memory_space<semaphore_mem>>)
    %dma_start3A_42 = arith.constant 0 : i32
    %dma_start3A_43 = tpu.memref_slice %arg5[%dma_start3A_42] : memref<1024xi32, #tpu.memory_space<vmem>> -> memref<32xi32, #tpu.memory_space<vmem>>
    %dma_start3A_44 = arith.constant 0 : i32
    %dma_start3A_45 = arith.constant 0 : i32
    %dma_start3A_46 = tpu.memref_slice %arg3[%dma_start3A_44, %dma_start3A_45] : memref<32128x768xf32, #tpu.memory_space<hbm>> -> memref<32128x768xf32, #tpu.memory_space<hbm>>
    tpu.enqueue_indirect_dma source(%dma_start3A_46 : memref<32128x768xf32, #tpu.memory_space<hbm>>) target(%arg6 : memref<32x768xf32, #tpu.memory_space<vmem>>) offsets(%dma_start3A_43 : memref<32xi32, #tpu.memory_space<vmem>>) semaphore(%arg10 : memref<!tpu.dma_semaphore, #tpu.memory_space<semaphore_mem>>)
    %dma_start3A_47 = arith.constant 32 : i32
    %dma_start3A_48 = tpu.memref_slice %arg5[%dma_start3A_47] : memref<1024xi32, #tpu.memory_space<vmem>> -> memref<32xi32, #tpu.memory_space<vmem>>
    %dma_start3A_49 = arith.constant 0 : i32
    %dma_start3A_50 = arith.constant 0 : i32
    %dma_start3A_51 = tpu.memref_slice %arg3[%dma_start3A_49, %dma_start3A_50] : memref<32128x768xf32, #tpu.memory_space<hbm>> -> memref<32128x768xf32, #tpu.memory_space<hbm>>
    tpu.enqueue_indirect_dma source(%dma_start3A_51 : memref<32128x768xf32, #tpu.memory_space<hbm>>) target(%arg7 : memref<32x768xf32, #tpu.memory_space<vmem>>) offsets(%dma_start3A_48 : memref<32xi32, #tpu.memory_space<vmem>>) semaphore(%arg10 : memref<!tpu.dma_semaphore, #tpu.memory_space<semaphore_mem>>)
    %dma_start3A_52 = arith.constant 64 : i32
    %dma_start3A_53 = tpu.memref_slice %arg5[%dma_start3A_52] : memref<1024xi32, #tpu.memory_space<vmem>> -> memref<32xi32, #tpu.memory_space<vmem>>
    %dma_start3A_54 = arith.constant 0 : i32
    %dma_start3A_55 = arith.constant 0 : i32
    %dma_start3A_56 = tpu.memref_slice %arg3[%dma_start3A_54, %dma_start3A_55] : memref<32128x768xf32, #tpu.memory_space<hbm>> -> memref<32128x768xf32, #tpu.memory_space<hbm>>
    tpu.enqueue_indirect_dma source(%dma_start3A_56 : memref<32128x768xf32, #tpu.memory_space<hbm>>) target(%arg8 : memref<32x768xf32, #tpu.memory_space<vmem>>) offsets(%dma_start3A_53 : memref<32xi32, #tpu.memory_space<vmem>>) semaphore(%arg10 : memref<!tpu.dma_semaphore, #tpu.memory_space<semaphore_mem>>)
    %dma_wait3A = arith.constant 0 : i32
    %dma_wait3A_57 = tpu.memref_slice %arg5[%dma_wait3A] : memref<1024xi32, #tpu.memory_space<vmem>> -> memref<32xi32, #tpu.memory_space<vmem>>
    %dma_wait3A_58 = arith.constant 0 : i32
    %dma_wait3A_59 = arith.constant 0 : i32
    %dma_wait3A_60 = tpu.memref_slice %arg3[%dma_wait3A_58, %dma_wait3A_59] : memref<32128x768xf32, #tpu.memory_space<hbm>> -> memref<32128x768xf32, #tpu.memory_space<hbm>>
    tpu.wait_indirect_dma semaphore(%arg10 : memref<!tpu.dma_semaphore, #tpu.memory_space<semaphore_mem>>) src(%dma_wait3A_60 : memref<32128x768xf32, #tpu.memory_space<hbm>>) dst(%arg6 : memref<32x768xf32, #tpu.memory_space<vmem>>)
    %dma_start3A_61 = arith.constant 96 : i32
    %dma_start3A_62 = tpu.memref_slice %arg5[%dma_start3A_61] : memref<1024xi32, #tpu.memory_space<vmem>> -> memref<32xi32, #tpu.memory_space<vmem>>
    %dma_start3A_63 = arith.constant 0 : i32
    %dma_start3A_64 = arith.constant 0 : i32
    %dma_start3A_65 = tpu.memref_slice %arg3[%dma_start3A_63, %dma_start3A_64] : memref<32128x768xf32, #tpu.memory_space<hbm>> -> memref<32128x768xf32, #tpu.memory_space<hbm>>
    tpu.enqueue_indirect_dma source(%dma_start3A_65 : memref<32128x768xf32, #tpu.memory_space<hbm>>) target(%arg9 : memref<32x768xf32, #tpu.memory_space<vmem>>) offsets(%dma_start3A_62 : memref<32xi32, #tpu.memory_space<vmem>>) semaphore(%arg10 : memref<!tpu.dma_semaphore, #tpu.memory_space<semaphore_mem>>)
    %add3A_66 = arith.constant 0 : i32
    %add3A_67 = arith.addi %mul3A_32, %add3A_66 : i32
    %dma_start3A_68 = arith.constant 0 : i32
    %dma_start3A_69 = tpu.memref_slice %arg4[%select_n3A, %add3A_67, %dma_start3A_68] : memref<4x8192x768xf32, #tpu.memory_space<hbm>> -> memref<1x32x768xf32, #tpu.memory_space<hbm>>
    %dma_start3A_70 = tpu.memref_squeeze %dma_start3A_69 : memref<1x32x768xf32, #tpu.memory_space<hbm>> -> memref<32x768xf32, #tpu.memory_space<hbm>>
    %dma_start3A_71 = arith.constant 0 : i32
    %dma_start3A_72 = tpu.memref_slice %arg4[%select_n3A, %add3A_67, %dma_start3A_71] : memref<4x8192x768xf32, #tpu.memory_space<hbm>> -> memref<1x32x768xf32, #tpu.memory_space<hbm>>
    %dma_start3A_73 = tpu.memref_squeeze %dma_start3A_72 : memref<1x32x768xf32, #tpu.memory_space<hbm>> -> memref<32x768xf32, #tpu.memory_space<hbm>>
    tpu.enqueue_dma source(%arg6 : memref<32x768xf32, #tpu.memory_space<vmem>>) target(%dma_start3A_73 : memref<32x768xf32, #tpu.memory_space<hbm>>) target_semaphore(%arg11 : memref<!tpu.dma_semaphore, #tpu.memory_space<semaphore_mem>>)
    %dma_wait3A_74 = arith.constant 128 : i32
    %dma_wait3A_75 = tpu.memref_slice %arg5[%dma_wait3A_74] : memref<1024xi32, #tpu.memory_space<vmem>> -> memref<896xi32, #tpu.memory_space<vmem>>
    %dma_wait3A_76 = tpu.memref_slice %arg2[%select_n3A, %add3A_34] : memref<4x8192xi32, #tpu.memory_space<hbm>> -> memref<1x896xi32, #tpu.memory_space<hbm>>
    %dma_wait3A_77 = tpu.memref_squeeze %dma_wait3A_76 : memref<1x896xi32, #tpu.memory_space<hbm>> -> memref<896xi32, #tpu.memory_space<hbm>>
    %dma_wait3A_78 = arith.constant 128 : i32
    %dma_wait3A_79 = tpu.memref_slice %arg5[%dma_wait3A_78] : memref<1024xi32, #tpu.memory_space<vmem>> -> memref<896xi32, #tpu.memory_space<vmem>>
    %dma_wait3A_80 = tpu.memref_slice %arg2[%select_n3A, %add3A_34] : memref<4x8192xi32, #tpu.memory_space<hbm>> -> memref<1x896xi32, #tpu.memory_space<hbm>>
    %dma_wait3A_81 = tpu.memref_squeeze %dma_wait3A_80 : memref<1x896xi32, #tpu.memory_space<hbm>> -> memref<896xi32, #tpu.memory_space<hbm>>
    tpu.wait_dma2 semaphore(%arg12 : memref<!tpu.dma_semaphore, #tpu.memory_space<semaphore_mem>>) src(%dma_wait3A_81 : memref<896xi32, #tpu.memory_space<hbm>>) dst(%dma_wait3A_79 : memref<896xi32, #tpu.memory_space<vmem>>)
    %scan3A = arith.constant 0 : i32
    %scan3A_82 = arith.constant 7 : i32
    %scan3A_83 = arith.addi %scan3A, %scan3A_82 : i32
    %scan3A_84 = arith.constant 1 : i32
    scf.for %scan3A_149 = %scan3A to %scan3A_83 step %scan3A_84  : i32 {
      %mul3A_150 = arith.constant 4 : i32
      %mul3A_151 = arith.muli %scan3A_149, %mul3A_150 : i32
      %add3A_152 = arith.constant 1 : i32
      %add3A_153 = arith.addi %add3A_152, %mul3A_151 : i32
      %add3A_154 = arith.constant 0 : i32
      %add3A_155 = arith.addi %add3A_153, %add3A_154 : i32
      %dma_wait3A_156 = arith.constant 0 : i32
      %dma_wait3A_157 = tpu.memref_slice %arg5[%dma_wait3A_156] : memref<1024xi32, #tpu.memory_space<vmem>> -> memref<32xi32, #tpu.memory_space<vmem>>
      %dma_wait3A_158 = arith.constant 0 : i32
      %dma_wait3A_159 = arith.constant 0 : i32
      %dma_wait3A_160 = tpu.memref_slice %arg3[%dma_wait3A_158, %dma_wait3A_159] : memref<32128x768xf32, #tpu.memory_space<hbm>> -> memref<32128x768xf32, #tpu.memory_space<hbm>>
      tpu.wait_indirect_dma semaphore(%arg10 : memref<!tpu.dma_semaphore, #tpu.memory_space<semaphore_mem>>) src(%dma_wait3A_160 : memref<32128x768xf32, #tpu.memory_space<hbm>>) dst(%arg7 : memref<32x768xf32, #tpu.memory_space<vmem>>)
      %dma_wait3A_161 = arith.constant 0 : i32
      %dma_wait3A_162 = tpu.memref_slice %arg4[%select_n3A, %mul3A_32, %dma_wait3A_161] : memref<4x8192x768xf32, #tpu.memory_space<hbm>> -> memref<1x32x768xf32, #tpu.memory_space<hbm>>
      %dma_wait3A_163 = tpu.memref_squeeze %dma_wait3A_162 : memref<1x32x768xf32, #tpu.memory_space<hbm>> -> memref<32x768xf32, #tpu.memory_space<hbm>>
      %dma_wait3A_164 = arith.constant 0 : i32
      %dma_wait3A_165 = tpu.memref_slice %arg4[%select_n3A, %mul3A_32, %dma_wait3A_164] : memref<4x8192x768xf32, #tpu.memory_space<hbm>> -> memref<1x32x768xf32, #tpu.memory_space<hbm>>
      %dma_wait3A_166 = tpu.memref_squeeze %dma_wait3A_165 : memref<1x32x768xf32, #tpu.memory_space<hbm>> -> memref<32x768xf32, #tpu.memory_space<hbm>>
      tpu.wait_dma2 semaphore(%arg11 : memref<!tpu.dma_semaphore, #tpu.memory_space<semaphore_mem>>) src(%arg6 : memref<32x768xf32, #tpu.memory_space<vmem>>) dst(%dma_wait3A_166 : memref<32x768xf32, #tpu.memory_space<hbm>>)
      %add3A_167 = arith.constant 4 : i32
      %add3A_168 = arith.addi %add3A_155, %add3A_167 : i32
      %sub3A_169 = arith.constant 1 : i32
      %sub3A_170 = arith.subi %add3A_168, %sub3A_169 : i32
      %mul3A_171 = arith.constant 32 : i32
      %mul3A_172 = arith.muli %sub3A_170, %mul3A_171 : i32
      %dma_start3A_173 = tpu.memref_slice %arg5[%mul3A_172] : memref<1024xi32, #tpu.memory_space<vmem>> -> memref<32xi32, #tpu.memory_space<vmem>>
      %dma_start3A_174 = arith.constant 0 : i32
      %dma_start3A_175 = arith.constant 0 : i32
      %dma_start3A_176 = tpu.memref_slice %arg3[%dma_start3A_174, %dma_start3A_175] : memref<32128x768xf32, #tpu.memory_space<hbm>> -> memref<32128x768xf32, #tpu.memory_space<hbm>>
      tpu.enqueue_indirect_dma source(%dma_start3A_176 : memref<32128x768xf32, #tpu.memory_space<hbm>>) target(%arg6 : memref<32x768xf32, #tpu.memory_space<vmem>>) offsets(%dma_start3A_173 : memref<32xi32, #tpu.memory_space<vmem>>) semaphore(%arg10 : memref<!tpu.dma_semaphore, #tpu.memory_space<semaphore_mem>>)
      %mul3A_177 = arith.constant 32 : i32
      %mul3A_178 = arith.muli %add3A_155, %mul3A_177 : i32
      %add3A_179 = arith.addi %mul3A_32, %mul3A_178 : i32
      %dma_start3A_180 = arith.constant 0 : i32
      %dma_start3A_181 = tpu.memref_slice %arg4[%select_n3A, %add3A_179, %dma_start3A_180] : memref<4x8192x768xf32, #tpu.memory_space<hbm>> -> memref<1x32x768xf32, #tpu.memory_space<hbm>>
      %dma_start3A_182 = tpu.memref_squeeze %dma_start3A_181 : memref<1x32x768xf32, #tpu.memory_space<hbm>> -> memref<32x768xf32, #tpu.memory_space<hbm>>
      %dma_start3A_183 = arith.constant 0 : i32
      %dma_start3A_184 = tpu.memref_slice %arg4[%select_n3A, %add3A_179, %dma_start3A_183] : memref<4x8192x768xf32, #tpu.memory_space<hbm>> -> memref<1x32x768xf32, #tpu.memory_space<hbm>>
      %dma_start3A_185 = tpu.memref_squeeze %dma_start3A_184 : memref<1x32x768xf32, #tpu.memory_space<hbm>> -> memref<32x768xf32, #tpu.memory_space<hbm>>
      tpu.enqueue_dma source(%arg7 : memref<32x768xf32, #tpu.memory_space<vmem>>) target(%dma_start3A_185 : memref<32x768xf32, #tpu.memory_space<hbm>>) target_semaphore(%arg11 : memref<!tpu.dma_semaphore, #tpu.memory_space<semaphore_mem>>)
      %add3A_186 = arith.constant 1 : i32
      %add3A_187 = arith.addi %add3A_153, %add3A_186 : i32
      %dma_wait3A_188 = arith.constant 0 : i32
      %dma_wait3A_189 = tpu.memref_slice %arg5[%dma_wait3A_188] : memref<1024xi32, #tpu.memory_space<vmem>> -> memref<32xi32, #tpu.memory_space<vmem>>
      %dma_wait3A_190 = arith.constant 0 : i32
      %dma_wait3A_191 = arith.constant 0 : i32
      %dma_wait3A_192 = tpu.memref_slice %arg3[%dma_wait3A_190, %dma_wait3A_191] : memref<32128x768xf32, #tpu.memory_space<hbm>> -> memref<32128x768xf32, #tpu.memory_space<hbm>>
      tpu.wait_indirect_dma semaphore(%arg10 : memref<!tpu.dma_semaphore, #tpu.memory_space<semaphore_mem>>) src(%dma_wait3A_192 : memref<32128x768xf32, #tpu.memory_space<hbm>>) dst(%arg8 : memref<32x768xf32, #tpu.memory_space<vmem>>)
      %dma_wait3A_193 = arith.constant 0 : i32
      %dma_wait3A_194 = tpu.memref_slice %arg4[%select_n3A, %mul3A_32, %dma_wait3A_193] : memref<4x8192x768xf32, #tpu.memory_space<hbm>> -> memref<1x32x768xf32, #tpu.memory_space<hbm>>
      %dma_wait3A_195 = tpu.memref_squeeze %dma_wait3A_194 : memref<1x32x768xf32, #tpu.memory_space<hbm>> -> memref<32x768xf32, #tpu.memory_space<hbm>>
      %dma_wait3A_196 = arith.constant 0 : i32
      %dma_wait3A_197 = tpu.memref_slice %arg4[%select_n3A, %mul3A_32, %dma_wait3A_196] : memref<4x8192x768xf32, #tpu.memory_space<hbm>> -> memref<1x32x768xf32, #tpu.memory_space<hbm>>
      %dma_wait3A_198 = tpu.memref_squeeze %dma_wait3A_197 : memref<1x32x768xf32, #tpu.memory_space<hbm>> -> memref<32x768xf32, #tpu.memory_space<hbm>>
      tpu.wait_dma2 semaphore(%arg11 : memref<!tpu.dma_semaphore, #tpu.memory_space<semaphore_mem>>) src(%arg7 : memref<32x768xf32, #tpu.memory_space<vmem>>) dst(%dma_wait3A_198 : memref<32x768xf32, #tpu.memory_space<hbm>>)
      %add3A_199 = arith.constant 4 : i32
      %add3A_200 = arith.addi %add3A_187, %add3A_199 : i32
      %sub3A_201 = arith.constant 1 : i32
      %sub3A_202 = arith.subi %add3A_200, %sub3A_201 : i32
      %mul3A_203 = arith.constant 32 : i32
      %mul3A_204 = arith.muli %sub3A_202, %mul3A_203 : i32
      %dma_start3A_205 = tpu.memref_slice %arg5[%mul3A_204] : memref<1024xi32, #tpu.memory_space<vmem>> -> memref<32xi32, #tpu.memory_space<vmem>>
      %dma_start3A_206 = arith.constant 0 : i32
      %dma_start3A_207 = arith.constant 0 : i32
      %dma_start3A_208 = tpu.memref_slice %arg3[%dma_start3A_206, %dma_start3A_207] : memref<32128x768xf32, #tpu.memory_space<hbm>> -> memref<32128x768xf32, #tpu.memory_space<hbm>>
      tpu.enqueue_indirect_dma source(%dma_start3A_208 : memref<32128x768xf32, #tpu.memory_space<hbm>>) target(%arg7 : memref<32x768xf32, #tpu.memory_space<vmem>>) offsets(%dma_start3A_205 : memref<32xi32, #tpu.memory_space<vmem>>) semaphore(%arg10 : memref<!tpu.dma_semaphore, #tpu.memory_space<semaphore_mem>>)
      %mul3A_209 = arith.constant 32 : i32
      %mul3A_210 = arith.muli %add3A_187, %mul3A_209 : i32
      %add3A_211 = arith.addi %mul3A_32, %mul3A_210 : i32
      %dma_start3A_212 = arith.constant 0 : i32
      %dma_start3A_213 = tpu.memref_slice %arg4[%select_n3A, %add3A_211, %dma_start3A_212] : memref<4x8192x768xf32, #tpu.memory_space<hbm>> -> memref<1x32x768xf32, #tpu.memory_space<hbm>>
      %dma_start3A_214 = tpu.memref_squeeze %dma_start3A_213 : memref<1x32x768xf32, #tpu.memory_space<hbm>> -> memref<32x768xf32, #tpu.memory_space<hbm>>
      %dma_start3A_215 = arith.constant 0 : i32
      %dma_start3A_216 = tpu.memref_slice %arg4[%select_n3A, %add3A_211, %dma_start3A_215] : memref<4x8192x768xf32, #tpu.memory_space<hbm>> -> memref<1x32x768xf32, #tpu.memory_space<hbm>>
      %dma_start3A_217 = tpu.memref_squeeze %dma_start3A_216 : memref<1x32x768xf32, #tpu.memory_space<hbm>> -> memref<32x768xf32, #tpu.memory_space<hbm>>
      tpu.enqueue_dma source(%arg8 : memref<32x768xf32, #tpu.memory_space<vmem>>) target(%dma_start3A_217 : memref<32x768xf32, #tpu.memory_space<hbm>>) target_semaphore(%arg11 : memref<!tpu.dma_semaphore, #tpu.memory_space<semaphore_mem>>)
      %add3A_218 = arith.constant 2 : i32
      %add3A_219 = arith.addi %add3A_153, %add3A_218 : i32
      %dma_wait3A_220 = arith.constant 0 : i32
      %dma_wait3A_221 = tpu.memref_slice %arg5[%dma_wait3A_220] : memref<1024xi32, #tpu.memory_space<vmem>> -> memref<32xi32, #tpu.memory_space<vmem>>
      %dma_wait3A_222 = arith.constant 0 : i32
      %dma_wait3A_223 = arith.constant 0 : i32
      %dma_wait3A_224 = tpu.memref_slice %arg3[%dma_wait3A_222, %dma_wait3A_223] : memref<32128x768xf32, #tpu.memory_space<hbm>> -> memref<32128x768xf32, #tpu.memory_space<hbm>>
      tpu.wait_indirect_dma semaphore(%arg10 : memref<!tpu.dma_semaphore, #tpu.memory_space<semaphore_mem>>) src(%dma_wait3A_224 : memref<32128x768xf32, #tpu.memory_space<hbm>>) dst(%arg9 : memref<32x768xf32, #tpu.memory_space<vmem>>)
      %dma_wait3A_225 = arith.constant 0 : i32
      %dma_wait3A_226 = tpu.memref_slice %arg4[%select_n3A, %mul3A_32, %dma_wait3A_225] : memref<4x8192x768xf32, #tpu.memory_space<hbm>> -> memref<1x32x768xf32, #tpu.memory_space<hbm>>
      %dma_wait3A_227 = tpu.memref_squeeze %dma_wait3A_226 : memref<1x32x768xf32, #tpu.memory_space<hbm>> -> memref<32x768xf32, #tpu.memory_space<hbm>>
      %dma_wait3A_228 = arith.constant 0 : i32
      %dma_wait3A_229 = tpu.memref_slice %arg4[%select_n3A, %mul3A_32, %dma_wait3A_228] : memref<4x8192x768xf32, #tpu.memory_space<hbm>> -> memref<1x32x768xf32, #tpu.memory_space<hbm>>
      %dma_wait3A_230 = tpu.memref_squeeze %dma_wait3A_229 : memref<1x32x768xf32, #tpu.memory_space<hbm>> -> memref<32x768xf32, #tpu.memory_space<hbm>>
      tpu.wait_dma2 semaphore(%arg11 : memref<!tpu.dma_semaphore, #tpu.memory_space<semaphore_mem>>) src(%arg8 : memref<32x768xf32, #tpu.memory_space<vmem>>) dst(%dma_wait3A_230 : memref<32x768xf32, #tpu.memory_space<hbm>>)
      %add3A_231 = arith.constant 4 : i32
      %add3A_232 = arith.addi %add3A_219, %add3A_231 : i32
      %sub3A_233 = arith.constant 1 : i32
      %sub3A_234 = arith.subi %add3A_232, %sub3A_233 : i32
      %mul3A_235 = arith.constant 32 : i32
      %mul3A_236 = arith.muli %sub3A_234, %mul3A_235 : i32
      %dma_start3A_237 = tpu.memref_slice %arg5[%mul3A_236] : memref<1024xi32, #tpu.memory_space<vmem>> -> memref<32xi32, #tpu.memory_space<vmem>>
      %dma_start3A_238 = arith.constant 0 : i32
      %dma_start3A_239 = arith.constant 0 : i32
      %dma_start3A_240 = tpu.memref_slice %arg3[%dma_start3A_238, %dma_start3A_239] : memref<32128x768xf32, #tpu.memory_space<hbm>> -> memref<32128x768xf32, #tpu.memory_space<hbm>>
      tpu.enqueue_indirect_dma source(%dma_start3A_240 : memref<32128x768xf32, #tpu.memory_space<hbm>>) target(%arg8 : memref<32x768xf32, #tpu.memory_space<vmem>>) offsets(%dma_start3A_237 : memref<32xi32, #tpu.memory_space<vmem>>) semaphore(%arg10 : memref<!tpu.dma_semaphore, #tpu.memory_space<semaphore_mem>>)
      %mul3A_241 = arith.constant 32 : i32
      %mul3A_242 = arith.muli %add3A_219, %mul3A_241 : i32
      %add3A_243 = arith.addi %mul3A_32, %mul3A_242 : i32
      %dma_start3A_244 = arith.constant 0 : i32
      %dma_start3A_245 = tpu.memref_slice %arg4[%select_n3A, %add3A_243, %dma_start3A_244] : memref<4x8192x768xf32, #tpu.memory_space<hbm>> -> memref<1x32x768xf32, #tpu.memory_space<hbm>>
      %dma_start3A_246 = tpu.memref_squeeze %dma_start3A_245 : memref<1x32x768xf32, #tpu.memory_space<hbm>> -> memref<32x768xf32, #tpu.memory_space<hbm>>
      %dma_start3A_247 = arith.constant 0 : i32
      %dma_start3A_248 = tpu.memref_slice %arg4[%select_n3A, %add3A_243, %dma_start3A_247] : memref<4x8192x768xf32, #tpu.memory_space<hbm>> -> memref<1x32x768xf32, #tpu.memory_space<hbm>>
      %dma_start3A_249 = tpu.memref_squeeze %dma_start3A_248 : memref<1x32x768xf32, #tpu.memory_space<hbm>> -> memref<32x768xf32, #tpu.memory_space<hbm>>
      tpu.enqueue_dma source(%arg9 : memref<32x768xf32, #tpu.memory_space<vmem>>) target(%dma_start3A_249 : memref<32x768xf32, #tpu.memory_space<hbm>>) target_semaphore(%arg11 : memref<!tpu.dma_semaphore, #tpu.memory_space<semaphore_mem>>)
      %add3A_250 = arith.constant 3 : i32
      %add3A_251 = arith.addi %add3A_153, %add3A_250 : i32
      %dma_wait3A_252 = arith.constant 0 : i32
      %dma_wait3A_253 = tpu.memref_slice %arg5[%dma_wait3A_252] : memref<1024xi32, #tpu.memory_space<vmem>> -> memref<32xi32, #tpu.memory_space<vmem>>
      %dma_wait3A_254 = arith.constant 0 : i32
      %dma_wait3A_255 = arith.constant 0 : i32
      %dma_wait3A_256 = tpu.memref_slice %arg3[%dma_wait3A_254, %dma_wait3A_255] : memref<32128x768xf32, #tpu.memory_space<hbm>> -> memref<32128x768xf32, #tpu.memory_space<hbm>>
      tpu.wait_indirect_dma semaphore(%arg10 : memref<!tpu.dma_semaphore, #tpu.memory_space<semaphore_mem>>) src(%dma_wait3A_256 : memref<32128x768xf32, #tpu.memory_space<hbm>>) dst(%arg6 : memref<32x768xf32, #tpu.memory_space<vmem>>)
      %dma_wait3A_257 = arith.constant 0 : i32
      %dma_wait3A_258 = tpu.memref_slice %arg4[%select_n3A, %mul3A_32, %dma_wait3A_257] : memref<4x8192x768xf32, #tpu.memory_space<hbm>> -> memref<1x32x768xf32, #tpu.memory_space<hbm>>
      %dma_wait3A_259 = tpu.memref_squeeze %dma_wait3A_258 : memref<1x32x768xf32, #tpu.memory_space<hbm>> -> memref<32x768xf32, #tpu.memory_space<hbm>>
      %dma_wait3A_260 = arith.constant 0 : i32
      %dma_wait3A_261 = tpu.memref_slice %arg4[%select_n3A, %mul3A_32, %dma_wait3A_260] : memref<4x8192x768xf32, #tpu.memory_space<hbm>> -> memref<1x32x768xf32, #tpu.memory_space<hbm>>
      %dma_wait3A_262 = tpu.memref_squeeze %dma_wait3A_261 : memref<1x32x768xf32, #tpu.memory_space<hbm>> -> memref<32x768xf32, #tpu.memory_space<hbm>>
      tpu.wait_dma2 semaphore(%arg11 : memref<!tpu.dma_semaphore, #tpu.memory_space<semaphore_mem>>) src(%arg9 : memref<32x768xf32, #tpu.memory_space<vmem>>) dst(%dma_wait3A_262 : memref<32x768xf32, #tpu.memory_space<hbm>>)
      %add3A_263 = arith.constant 4 : i32
      %add3A_264 = arith.addi %add3A_251, %add3A_263 : i32
      %sub3A_265 = arith.constant 1 : i32
      %sub3A_266 = arith.subi %add3A_264, %sub3A_265 : i32
      %mul3A_267 = arith.constant 32 : i32
      %mul3A_268 = arith.muli %sub3A_266, %mul3A_267 : i32
      %dma_start3A_269 = tpu.memref_slice %arg5[%mul3A_268] : memref<1024xi32, #tpu.memory_space<vmem>> -> memref<32xi32, #tpu.memory_space<vmem>>
      %dma_start3A_270 = arith.constant 0 : i32
      %dma_start3A_271 = arith.constant 0 : i32
      %dma_start3A_272 = tpu.memref_slice %arg3[%dma_start3A_270, %dma_start3A_271] : memref<32128x768xf32, #tpu.memory_space<hbm>> -> memref<32128x768xf32, #tpu.memory_space<hbm>>
      tpu.enqueue_indirect_dma source(%dma_start3A_272 : memref<32128x768xf32, #tpu.memory_space<hbm>>) target(%arg9 : memref<32x768xf32, #tpu.memory_space<vmem>>) offsets(%dma_start3A_269 : memref<32xi32, #tpu.memory_space<vmem>>) semaphore(%arg10 : memref<!tpu.dma_semaphore, #tpu.memory_space<semaphore_mem>>)
      %mul3A_273 = arith.constant 32 : i32
      %mul3A_274 = arith.muli %add3A_251, %mul3A_273 : i32
      %add3A_275 = arith.addi %mul3A_32, %mul3A_274 : i32
      %dma_start3A_276 = arith.constant 0 : i32
      %dma_start3A_277 = tpu.memref_slice %arg4[%select_n3A, %add3A_275, %dma_start3A_276] : memref<4x8192x768xf32, #tpu.memory_space<hbm>> -> memref<1x32x768xf32, #tpu.memory_space<hbm>>
      %dma_start3A_278 = tpu.memref_squeeze %dma_start3A_277 : memref<1x32x768xf32, #tpu.memory_space<hbm>> -> memref<32x768xf32, #tpu.memory_space<hbm>>
      %dma_start3A_279 = arith.constant 0 : i32
      %dma_start3A_280 = tpu.memref_slice %arg4[%select_n3A, %add3A_275, %dma_start3A_279] : memref<4x8192x768xf32, #tpu.memory_space<hbm>> -> memref<1x32x768xf32, #tpu.memory_space<hbm>>
      %dma_start3A_281 = tpu.memref_squeeze %dma_start3A_280 : memref<1x32x768xf32, #tpu.memory_space<hbm>> -> memref<32x768xf32, #tpu.memory_space<hbm>>
      tpu.enqueue_dma source(%arg6 : memref<32x768xf32, #tpu.memory_space<vmem>>) target(%dma_start3A_281 : memref<32x768xf32, #tpu.memory_space<hbm>>) target_semaphore(%arg11 : memref<!tpu.dma_semaphore, #tpu.memory_space<semaphore_mem>>)
    }
    %scan3A_85 = arith.constant 7 : i32
    %dma_wait3A_86 = arith.constant 0 : i32
    %dma_wait3A_87 = tpu.memref_slice %arg5[%dma_wait3A_86] : memref<1024xi32, #tpu.memory_space<vmem>> -> memref<32xi32, #tpu.memory_space<vmem>>
    %dma_wait3A_88 = arith.constant 0 : i32
    %dma_wait3A_89 = arith.constant 0 : i32
    %dma_wait3A_90 = tpu.memref_slice %arg3[%dma_wait3A_88, %dma_wait3A_89] : memref<32128x768xf32, #tpu.memory_space<hbm>> -> memref<32128x768xf32, #tpu.memory_space<hbm>>
    tpu.wait_indirect_dma semaphore(%arg10 : memref<!tpu.dma_semaphore, #tpu.memory_space<semaphore_mem>>) src(%dma_wait3A_90 : memref<32128x768xf32, #tpu.memory_space<hbm>>) dst(%arg7 : memref<32x768xf32, #tpu.memory_space<vmem>>)
    %add3A_91 = arith.constant 928 : i32
    %add3A_92 = arith.addi %mul3A_32, %add3A_91 : i32
    %dma_start3A_93 = arith.constant 0 : i32
    %dma_start3A_94 = tpu.memref_slice %arg4[%select_n3A, %add3A_92, %dma_start3A_93] : memref<4x8192x768xf32, #tpu.memory_space<hbm>> -> memref<1x32x768xf32, #tpu.memory_space<hbm>>
    %dma_start3A_95 = tpu.memref_squeeze %dma_start3A_94 : memref<1x32x768xf32, #tpu.memory_space<hbm>> -> memref<32x768xf32, #tpu.memory_space<hbm>>
    %dma_start3A_96 = arith.constant 0 : i32
    %dma_start3A_97 = tpu.memref_slice %arg4[%select_n3A, %add3A_92, %dma_start3A_96] : memref<4x8192x768xf32, #tpu.memory_space<hbm>> -> memref<1x32x768xf32, #tpu.memory_space<hbm>>
    %dma_start3A_98 = tpu.memref_squeeze %dma_start3A_97 : memref<1x32x768xf32, #tpu.memory_space<hbm>> -> memref<32x768xf32, #tpu.memory_space<hbm>>
    tpu.enqueue_dma source(%arg7 : memref<32x768xf32, #tpu.memory_space<vmem>>) target(%dma_start3A_98 : memref<32x768xf32, #tpu.memory_space<hbm>>) target_semaphore(%arg11 : memref<!tpu.dma_semaphore, #tpu.memory_space<semaphore_mem>>)
    %dma_wait3A_99 = arith.constant 0 : i32
    %dma_wait3A_100 = tpu.memref_slice %arg5[%dma_wait3A_99] : memref<1024xi32, #tpu.memory_space<vmem>> -> memref<32xi32, #tpu.memory_space<vmem>>
    %dma_wait3A_101 = arith.constant 0 : i32
    %dma_wait3A_102 = arith.constant 0 : i32
    %dma_wait3A_103 = tpu.memref_slice %arg3[%dma_wait3A_101, %dma_wait3A_102] : memref<32128x768xf32, #tpu.memory_space<hbm>> -> memref<32128x768xf32, #tpu.memory_space<hbm>>
    tpu.wait_indirect_dma semaphore(%arg10 : memref<!tpu.dma_semaphore, #tpu.memory_space<semaphore_mem>>) src(%dma_wait3A_103 : memref<32128x768xf32, #tpu.memory_space<hbm>>) dst(%arg8 : memref<32x768xf32, #tpu.memory_space<vmem>>)
    %add3A_104 = arith.constant 960 : i32
    %add3A_105 = arith.addi %mul3A_32, %add3A_104 : i32
    %dma_start3A_106 = arith.constant 0 : i32
    %dma_start3A_107 = tpu.memref_slice %arg4[%select_n3A, %add3A_105, %dma_start3A_106] : memref<4x8192x768xf32, #tpu.memory_space<hbm>> -> memref<1x32x768xf32, #tpu.memory_space<hbm>>
    %dma_start3A_108 = tpu.memref_squeeze %dma_start3A_107 : memref<1x32x768xf32, #tpu.memory_space<hbm>> -> memref<32x768xf32, #tpu.memory_space<hbm>>
    %dma_start3A_109 = arith.constant 0 : i32
    %dma_start3A_110 = tpu.memref_slice %arg4[%select_n3A, %add3A_105, %dma_start3A_109] : memref<4x8192x768xf32, #tpu.memory_space<hbm>> -> memref<1x32x768xf32, #tpu.memory_space<hbm>>
    %dma_start3A_111 = tpu.memref_squeeze %dma_start3A_110 : memref<1x32x768xf32, #tpu.memory_space<hbm>> -> memref<32x768xf32, #tpu.memory_space<hbm>>
    tpu.enqueue_dma source(%arg8 : memref<32x768xf32, #tpu.memory_space<vmem>>) target(%dma_start3A_111 : memref<32x768xf32, #tpu.memory_space<hbm>>) target_semaphore(%arg11 : memref<!tpu.dma_semaphore, #tpu.memory_space<semaphore_mem>>)
    %dma_wait3A_112 = arith.constant 0 : i32
    %dma_wait3A_113 = tpu.memref_slice %arg5[%dma_wait3A_112] : memref<1024xi32, #tpu.memory_space<vmem>> -> memref<32xi32, #tpu.memory_space<vmem>>
    %dma_wait3A_114 = arith.constant 0 : i32
    %dma_wait3A_115 = arith.constant 0 : i32
    %dma_wait3A_116 = tpu.memref_slice %arg3[%dma_wait3A_114, %dma_wait3A_115] : memref<32128x768xf32, #tpu.memory_space<hbm>> -> memref<32128x768xf32, #tpu.memory_space<hbm>>
    tpu.wait_indirect_dma semaphore(%arg10 : memref<!tpu.dma_semaphore, #tpu.memory_space<semaphore_mem>>) src(%dma_wait3A_116 : memref<32128x768xf32, #tpu.memory_space<hbm>>) dst(%arg9 : memref<32x768xf32, #tpu.memory_space<vmem>>)
    %add3A_117 = arith.constant 992 : i32
    %add3A_118 = arith.addi %mul3A_32, %add3A_117 : i32
    %dma_start3A_119 = arith.constant 0 : i32
    %dma_start3A_120 = tpu.memref_slice %arg4[%select_n3A, %add3A_118, %dma_start3A_119] : memref<4x8192x768xf32, #tpu.memory_space<hbm>> -> memref<1x32x768xf32, #tpu.memory_space<hbm>>
    %dma_start3A_121 = tpu.memref_squeeze %dma_start3A_120 : memref<1x32x768xf32, #tpu.memory_space<hbm>> -> memref<32x768xf32, #tpu.memory_space<hbm>>
    %dma_start3A_122 = arith.constant 0 : i32
    %dma_start3A_123 = tpu.memref_slice %arg4[%select_n3A, %add3A_118, %dma_start3A_122] : memref<4x8192x768xf32, #tpu.memory_space<hbm>> -> memref<1x32x768xf32, #tpu.memory_space<hbm>>
    %dma_start3A_124 = tpu.memref_squeeze %dma_start3A_123 : memref<1x32x768xf32, #tpu.memory_space<hbm>> -> memref<32x768xf32, #tpu.memory_space<hbm>>
    tpu.enqueue_dma source(%arg9 : memref<32x768xf32, #tpu.memory_space<vmem>>) target(%dma_start3A_124 : memref<32x768xf32, #tpu.memory_space<hbm>>) target_semaphore(%arg11 : memref<!tpu.dma_semaphore, #tpu.memory_space<semaphore_mem>>)
    %dma_wait3A_125 = arith.constant 0 : i32
    %dma_wait3A_126 = tpu.memref_slice %arg4[%select_n3A, %mul3A_32, %dma_wait3A_125] : memref<4x8192x768xf32, #tpu.memory_space<hbm>> -> memref<1x32x768xf32, #tpu.memory_space<hbm>>
    %dma_wait3A_127 = tpu.memref_squeeze %dma_wait3A_126 : memref<1x32x768xf32, #tpu.memory_space<hbm>> -> memref<32x768xf32, #tpu.memory_space<hbm>>
    %dma_wait3A_128 = arith.constant 0 : i32
    %dma_wait3A_129 = tpu.memref_slice %arg4[%select_n3A, %mul3A_32, %dma_wait3A_128] : memref<4x8192x768xf32, #tpu.memory_space<hbm>> -> memref<1x32x768xf32, #tpu.memory_space<hbm>>
    %dma_wait3A_130 = tpu.memref_squeeze %dma_wait3A_129 : memref<1x32x768xf32, #tpu.memory_space<hbm>> -> memref<32x768xf32, #tpu.memory_space<hbm>>
    tpu.wait_dma2 semaphore(%arg11 : memref<!tpu.dma_semaphore, #tpu.memory_space<semaphore_mem>>) src(%arg6 : memref<32x768xf32, #tpu.memory_space<vmem>>) dst(%dma_wait3A_130 : memref<32x768xf32, #tpu.memory_space<hbm>>)
    %dma_wait3A_131 = arith.constant 0 : i32
    %dma_wait3A_132 = tpu.memref_slice %arg4[%select_n3A, %mul3A_32, %dma_wait3A_131] : memref<4x8192x768xf32, #tpu.memory_space<hbm>> -> memref<1x32x768xf32, #tpu.memory_space<hbm>>
    %dma_wait3A_133 = tpu.memref_squeeze %dma_wait3A_132 : memref<1x32x768xf32, #tpu.memory_space<hbm>> -> memref<32x768xf32, #tpu.memory_space<hbm>>
    %dma_wait3A_134 = arith.constant 0 : i32
    %dma_wait3A_135 = tpu.memref_slice %arg4[%select_n3A, %mul3A_32, %dma_wait3A_134] : memref<4x8192x768xf32, #tpu.memory_space<hbm>> -> memref<1x32x768xf32, #tpu.memory_space<hbm>>
    %dma_wait3A_136 = tpu.memref_squeeze %dma_wait3A_135 : memref<1x32x768xf32, #tpu.memory_space<hbm>> -> memref<32x768xf32, #tpu.memory_space<hbm>>
    tpu.wait_dma2 semaphore(%arg11 : memref<!tpu.dma_semaphore, #tpu.memory_space<semaphore_mem>>) src(%arg7 : memref<32x768xf32, #tpu.memory_space<vmem>>) dst(%dma_wait3A_136 : memref<32x768xf32, #tpu.memory_space<hbm>>)
    %dma_wait3A_137 = arith.constant 0 : i32
    %dma_wait3A_138 = tpu.memref_slice %arg4[%select_n3A, %mul3A_32, %dma_wait3A_137] : memref<4x8192x768xf32, #tpu.memory_space<hbm>> -> memref<1x32x768xf32, #tpu.memory_space<hbm>>
    %dma_wait3A_139 = tpu.memref_squeeze %dma_wait3A_138 : memref<1x32x768xf32, #tpu.memory_space<hbm>> -> memref<32x768xf32, #tpu.memory_space<hbm>>
    %dma_wait3A_140 = arith.constant 0 : i32
    %dma_wait3A_141 = tpu.memref_slice %arg4[%select_n3A, %mul3A_32, %dma_wait3A_140] : memref<4x8192x768xf32, #tpu.memory_space<hbm>> -> memref<1x32x768xf32, #tpu.memory_space<hbm>>
    %dma_wait3A_142 = tpu.memref_squeeze %dma_wait3A_141 : memref<1x32x768xf32, #tpu.memory_space<hbm>> -> memref<32x768xf32, #tpu.memory_space<hbm>>
    tpu.wait_dma2 semaphore(%arg11 : memref<!tpu.dma_semaphore, #tpu.memory_space<semaphore_mem>>) src(%arg8 : memref<32x768xf32, #tpu.memory_space<vmem>>) dst(%dma_wait3A_142 : memref<32x768xf32, #tpu.memory_space<hbm>>)
    %dma_wait3A_143 = arith.constant 0 : i32
    %dma_wait3A_144 = tpu.memref_slice %arg4[%select_n3A, %mul3A_32, %dma_wait3A_143] : memref<4x8192x768xf32, #tpu.memory_space<hbm>> -> memref<1x32x768xf32, #tpu.memory_space<hbm>>
    %dma_wait3A_145 = tpu.memref_squeeze %dma_wait3A_144 : memref<1x32x768xf32, #tpu.memory_space<hbm>> -> memref<32x768xf32, #tpu.memory_space<hbm>>
    %dma_wait3A_146 = arith.constant 0 : i32
    %dma_wait3A_147 = tpu.memref_slice %arg4[%select_n3A, %mul3A_32, %dma_wait3A_146] : memref<4x8192x768xf32, #tpu.memory_space<hbm>> -> memref<1x32x768xf32, #tpu.memory_space<hbm>>
    %dma_wait3A_148 = tpu.memref_squeeze %dma_wait3A_147 : memref<1x32x768xf32, #tpu.memory_space<hbm>> -> memref<32x768xf32, #tpu.memory_space<hbm>>
    tpu.wait_dma2 semaphore(%arg11 : memref<!tpu.dma_semaphore, #tpu.memory_space<semaphore_mem>>) src(%arg9 : memref<32x768xf32, #tpu.memory_space<vmem>>) dst(%dma_wait3A_148 : memref<32x768xf32, #tpu.memory_space<hbm>>)
    return
  }
}

</mosaic_0001>

<sc_bundles>
// kernel: kernel.3.cloned.1.call-start
scs
__scs_entry_jumppad:
0x0: {  	(pc) =	sbr.rel $0x88, $3  }
0x1: {  	(tag) =	ssettag $0x0;
	lr =	simm.s32 $0x1  }
0x2: {  	[smem:$0x3F9F] =	sst lr;
	_ =	strace $0xD0000000  }
0x3: {  	_ = 	snop  }
0x4: {  	_ = 	snop  }
0x5: {  	_ = 	snop  }
0x6: {  	_ = 	snop  }
0x7: {  	_ = 	snop  }
__scs_overlays_trampoline_lowered:
0x8: {  	[smem:$0x3FAE] =	sst s0  }
0x9: {  	[smem:$0x3FAF] =	sst s1  }
0xa: {  	[smem:$0x3FB0] =	sst s2  }
0xb: {  	[smem:$0x3FB1] =	sst s3  }
0xc: {  	[smem:$0x3FB2] =	sst s4  }
0xd: {  	[smem:$0x3FB3] =	sst s5  }
0xe: {  	[smem:$0x3FB4] =	sst s6  }
0xf: {  	[smem:$0x3FB5] =	sst s7  }
0x10: {  	[smem:$0x3FB6] =	sst s8  }
0x11: {  	[smem:$0x3FB7] =	sst s9;
	s0 =	simm.s32 @!p0 $0x0  }
0x12: {  	s1 =	sld [smem:$0x3F9D];
	s0 =	simm.s32 @p0 $0x1  }
0x13: {  	[smem:$0x3FB8] =	sst s0;
	s0 =	simm.s32 @!p1 $0x0  }
0x14: {  	s2 =	sld [smem:$0x3F9C];
	s0 =	simm.s32 @p1 $0x1  }
0x15: {  	[smem:$0x3FB9] =	sst s0;
	s0 =	simm.s32 @!p2 $0x0  }
0x16: {  	s3 =	sld [smem:$0x3FDB];
	s0 =	simm.s32 @p2 $0x1  }
0x17: {  	s4 =	simm.s32 $0x1BF5;
	[smem:$0x3FBB] =	sst s0  }
0x18: {  	s0 =	sld [smem:$0x3F9E];
	_ =	swait.ge [sflag:s4], $0x0  }
0x19: {  	s7 =	sld [smem:$0x3F9F]  }
0x1a: {  	s8 =	sadd.s32 $0xFFFFE003, lr  }
0x1b: {  	s9 =	sadd.s32 $0xFFFFFEF7, lr;
	s5 =	simm.s32 $0xFFFFFFFF;
	p2 =	slt.u32 s8, $0xFFFFF086  }
0x1c: {  	p1 =	slt.u32 s9, $0xF7A;
	s5 =	simm.s32 @!p2 $0x0  }
0x1d: {  	s5 =	simm.s32 @p1 $0x1;
	p0 =	seq.s32 s7, s2  }
0x1e: {  	s7 =	smul.u32 @!p0 $0xF7A, s2;
	p2 =	seq.s32 @!p0 s5, $0x0  }
0x1f: {  	s9 =	smul.u32 $0xF7A, s1;
	s8 =	simm.s32 @!p0 $0x1BF5;
	p2 =	por !p2, p0  }
0x20: {  	[sflag:s8] =	ssyncset.s32 @!p0 $0xFFFFF086;
	s6 =	sadd.s32 @!p0 s3, s7;
	s7 =	simm.s32 @!p0 $0x108  }
0x21: {  	s3 =	sadd.s32 s3, s9;
	s6 =	sadd.s32 @!p0 $0x88, s6;
	s7 =	simm.s32 @p2 $0x1082  }
0x22: {  	[simem:s7], [sflag:s8] =	dma.local @!p0 [hbm:s6], $0xF7A  }
0x23: {  	s9 =	sor.u32 $0xD0000000, s2;
	s6 =	simm.s32 $0x108;
	_ =	swait.ge @!p0 [sflag:s8], $0x0  }
0x24: {  	s3 =	sadd.s32 $0x88, s3;
	s6 =	simm.s32 @!p1 $0x1082;
	[sflag:s4] =	ssyncset.s32 $0xFFFFF086  }
0x25: {  	[simem:s6], [sflag:s4] =	dma.local [hbm:s3], $0xF7A  }
0x26: {  	[smem:$0x3F9F] =	sst s1;
	(tag) =	ssettag s2;
	_ =	strace s9  }
0x27: {  	s1 =	sld [smem:$0x3FAF]  }
0x28: {  	s2 =	sld [smem:$0x3FB0]  }
0x29: {  	s4 =	sld [smem:$0x3FB2]  }
0x2a: {  	p0 =	seq.s32 s5, $0x0;
	s5 =	sld [smem:$0x3FB3]  }
0x2b: {  	s6 =	sld [smem:$0x3FB4]  }
0x2c: {  	s7 =	sld [smem:$0x3FB5]  }
0x2d: {  	s3 =	simm.s32 $0x108;
	s8 =	sld [smem:$0x3FB6]  }
0x2e: {  	s3 =	simm.s32 @!p0 $0x1082;
	s9 =	sld [smem:$0x3FB7]  }
0x2f: {  	lr =	sadd.s32 s0, s3;
	s0 =	sld [smem:$0x3FAE]  }
0x30: {  	s3 =	sld [smem:$0x3FB1]  }
0x31: {  	[smem:$0x3FBA] =	sst s10  }
0x32: {  	s10 =	sld [smem:$0x3FB8];
	_ =	sdelay $0x3  }
0x33: {  	p0 =	seq.s32 s10, $0x1;
	s10 =	sld [smem:$0x3FBA];
	_ =	sdelay $0x3  }
0x34: {  	[smem:$0x3FBA] =	sst s10  }
0x35: {  	s10 =	sld [smem:$0x3FB9];
	_ =	sdelay $0x3  }
0x36: {  	p1 =	seq.s32 s10, $0x1;
	s10 =	sld [smem:$0x3FBA];
	_ =	sdelay $0x3  }
0x37: {  	[smem:$0x3FBA] =	sst s10  }
0x38: {  	s10 =	sld [smem:$0x3FBB]  }
0x39: {  	_ = 	snop;
	(pc) =	sbr.ind lr, $3  }
0x3a: {  	_ = 	snop  }
0x3b: {  	_ = 	snop  }
0x3c: {  	p2 =	seq.s32 s10, $0x1;
	s10 =	sld [smem:$0x3FBA]  }
0x3d: {  	_ =	shalt  }
0x3e: {  	_ =	shalt  }
0x3f: {  	_ =	shalt  }
0x40: {  	_ =	shalt  }
0x41: {  	_ =	shalt  }
0x42: {  	_ =	shalt  }
0x43: {  	_ =	shalt  }
0x44: {  	_ =	shalt  }
0x45: {  	_ =	shalt  }
0x46: {  	_ =	shalt  }
0x47: {  	_ =	shalt  }
0x48: {  	_ =	shalt  }
0x49: {  	_ =	shalt  }
0x4a: {  	_ =	shalt  }
0x4b: {  	_ =	shalt  }
0x4c: {  	_ =	shalt  }
0x4d: {  	_ =	shalt  }
0x4e: {  	_ =	shalt  }
0x4f: {  	_ =	shalt  }
0x50: {  	_ =	shalt  }
0x51: {  	_ =	shalt  }
0x52: {  	_ =	shalt  }
0x53: {  	_ =	shalt  }
0x54: {  	_ =	shalt  }
0x55: {  	_ =	shalt  }
0x56: {  	_ =	shalt  }
0x57: {  	_ =	shalt  }
0x58: {  	_ =	shalt  }
0x59: {  	_ =	shalt  }
0x5a: {  	_ =	shalt  }
0x5b: {  	_ =	shalt  }
0x5c: {  	_ =	shalt  }
0x5d: {  	_ =	shalt  }
0x5e: {  	_ =	shalt  }
0x5f: {  	_ =	shalt  }
0x60: {  	_ =	shalt  }
0x61: {  	_ =	shalt  }
0x62: {  	_ =	shalt  }
0x63: {  	_ =	shalt  }
0x64: {  	_ =	shalt  }
0x65: {  	_ =	shalt  }
0x66: {  	_ =	shalt  }
0x67: {  	_ =	shalt  }
0x68: {  	_ =	shalt  }
0x69: {  	_ =	shalt  }
0x6a: {  	_ =	shalt  }
0x6b: {  	_ =	shalt  }
0x6c: {  	_ =	shalt  }
0x6d: {  	_ =	shalt  }
0x6e: {  	_ =	shalt  }
0x6f: {  	_ =	shalt  }
0x70: {  	_ =	shalt  }
0x71: {  	_ =	shalt  }
0x72: {  	_ =	shalt  }
0x73: {  	_ =	shalt  }
0x74: {  	_ =	shalt  }
0x75: {  	_ =	shalt  }
0x76: {  	_ =	shalt  }
0x77: {  	_ =	shalt  }
0x78: {  	_ =	shalt  }
0x79: {  	_ =	shalt  }
0x7a: {  	_ =	shalt  }
0x7b: {  	_ =	shalt  }
0x7c: {  	_ =	shalt  }
0x7d: {  	_ =	shalt  }
0x7e: {  	_ =	shalt  }
0x7f: {  	_ =	shalt  }
0x80: {  	_ =	shalt  }
0x81: {  	_ =	shalt  }
0x82: {  	_ =	shalt  }
0x83: {  	_ =	shalt  }
0x84: {  	_ =	shalt  }
0x85: {  	_ =	shalt  }
0x86: {  	_ =	shalt  }
0x87: {  	_ =	shalt  }
.Lfunc_end0:
.L_simem_size_0:
called_computation_lowered:
.L_overlay_start_0:
0x88: {  	s2 =	sld [smem:$0x3FD9]  }
0x89: {  	s3 =	sld [smem:$0x3FFE];
	_ =	sdelay $0x1  }
0x8a: {  	s1 =	srdreg.scid  }
0x8b: {  	s0 =	sand.u32 $0x1, s1  }
0x8c: {  	s18 =	sshll.u32 s0, $0xA;
	s2 =	sadd.s32 s3, s2  }
0x8d: {  	s2 =	sadd.s32 s2, s18  }
0x8e: {  	[smem:$0x3FC6] =	sst s2  }
0x8f: {  	_ = 	snop  }
0x90: {  	s2 =	sld [smem:$0x3FC9]  }
0x91: {  	s19 =	sld [smem:$0x3FC8]  }
0x92: {  	s4 =	sld [smem:$0x3FD0];
	(tm) =	ssettm $0x1  }
0x93: {  	s5 =	sld [smem:$0x3FFB];
	_ =	sdelay $0x3  }
0x94: {  	_ =	strace s5  }
0x95: {  	s5 =	sld [smem:$0x3FFC];
	_ =	sdelay $0x3  }
0x96: {  	_ =	strace s5  }
0x97: {  	s5 =	sld [smem:$0x3FFD];
	_ =	sdelay $0x3  }
0x98: {  	_ =	strace s5  }
0x99: {  	_ =	strace $0x8FFFFFFF  }
0x9a: {  	s20 =	sld [smem:$0x3FDB];
	_ =	sdelay $0x1  }
0x9b: {  	s6 =	simm.s32 $_scs_section_size  }
0x9c: {  	s7 =	simm.s32 $_size__tile_overlayer_lowered;
	s8 =	simm.s32 $_tile_overlayer_lowered  }
0x9d: {  	s23 =	simm.s32 $0x1BFF;
	s22 =	sshll.u32 s8, $0x1;
	s5 =	sadd.s32 s6, s20  }
0x9e: {  	s9 =	simm.s32 $0x0;
	s21 =	sshll.u32 s7, $0x1;
	s7 =	sadd.s32 s22, s5  }
0x9f: {  	[timem:s9], [sflag:s23] =	dma.local [hbm:s7], s21  }
0xa0: {  	_ =	swait.ge [sflag:s23], s21  }
0xa1: {  	s6 =	ssub.s32 $0x0, s21;
	[sflag:s23] =	ssyncset.done $0x0  }
0xa2: {  	[sflag:s23] =	ssyncadd.s32 s6;
	_ =	sdelay $0x1  }
0xa3: {  	s24 =	simm.s32 $0x1B8B  }
0xa4: {  	_ =	swait.ge [sflag:s24], $0x1  }
0xa5: {  	[sflag:s24] =	ssyncset.done $0x0  }
0xa6: {  	s25 =	simm.s32 $0x1B8E;
	[sflag:s24] =	ssyncadd.s32 $0xFFFFFFFF  }
0xa7: {  	s26 =	simm.s32 $execute0_lowered;
	[smem:$0x3FD2] =	sst s25  }
0xa8: {  	s6 =	sshll.u32 s26, $0x1;
	_ =	strace $0x80000046;
	[dreg:$0x1] =	wrdreg $0xFFFFFFFF  }
0xa9: {  	s28 =	simm.s32 $_size_execute0_lowered;
	s5 =	sadd.s32 s5, s6;
	[dreg:$0x0] =	wrdreg $0x0  }
0xaa: {  	s6 =	sshll.u32 s28, $0x1;
	[dreg:$0x2] =	wrdreg s5  }
0xab: {  	[dreg:$0x3] =	wrdreg s6  }
0xac: {  	[dreg:$0x4] =	wrdreg $0xC0  }
0xad: {  	_ =	task [dreg:s9], $0x5FFFF  }
0xae: {  	[dreg:$0x1] =	wrdreg $0xFFFFFFFF  }
0xaf: {  	[dreg:$0x0] =	wrdreg $0x60  }
0xb0: {  	[dreg:$0x2] =	wrdreg s2  }
0xb1: {  	[dreg:$0x3] =	wrdreg s19  }
0xb2: {  	[dreg:$0x4] =	wrdreg s4  }
0xb3: {  	[dreg:$0x5] =	wrdreg $0x9  }
0xb4: {  	_ =	task.clear_ibuf [dreg:s9], $0x6FFFF;
	_ =	strace $0x90000046  }
0xb5: {  	s29 =	simm.s32 $0x9;
	_ =	strace $0x80000048  }
0xb6: {  	_ =	swait.ge [sflag:s29], $0x1  }
0xb7: {  	[sflag:s29] =	ssyncadd.s32 $0xFFFFFFFF  }
0xb8: {  	_ =	strace $0x90000048  }
0xb9: {  	_ =	sfence  }
0xba: {  	s30 =	sld [smem:$0x0];
	_ =	sdelay $0x2  }
0xbb: {  	s31 =	sshll.u32 s1, $0xD;
	s1 =	sshrl.u32 s1, $0x2  }
0xbc: {  	s3 =	sand.u32 $0x4000, s31;
	s1 =	sadd.s32 s1, s30  }
0xbd: {  	s0 =	sor.u32 s3, s0;
	s1 =	sshll.u32 s1, $0x11  }
0xbe: {  	s0 =	sor.u32 s1, s0  }
0xbf: {  	s0 =	sadd.s32 $0x8F2B, s0  }
0xc0: {  	[sflag:s0] =	ssyncadd.remote.s32 $0x1  }
0xc1: {  	_ =	sfence.sel $0xFFFF  }
0xc2: {  	[dreg:$0x0] =	wrdreg $0xFFFFFFFF;
	(pc) =	sbr.abs _section_cstart, $3  }
0xc3: {  	[dreg:$0x1] =	wrdreg $0xFFFFFFFF  }
0xc4: {  	_ =	task.clear_ibuf [dreg:s9], $0x2FFFF;
	_ =	strace $0x9FFFFFFF  }
0xc5: {  	(tm) =	ssettm $0x7FFFFFFF  }
tec
execute0_lowered:
.L_overlay_start_1:
0x0: {  	(tag) =	ssettag $0x1  }
0x1: {  	s0 =	rddreg [dreg:$0x0]  }
0x2: {  	s2 =	rddreg [dreg:$0x1]  }
0x3: {  	s1 =	rddreg [dreg:$0x2];
	s4 =	srdreg.scid  }
0x4: {  	s10 =	stileid.u32;
	s3 =	simm.s32 $0x0;
	s29 =	simm.s32 $0x6400  }
0x5: {  	s28 =	simm.s32 $0x12400;
	s30 =	simm.s32 $0x17C00;
	s4 =	sand.u32 $0x1, s4  }
0x6: {  	s5 =	sshll.u32 s10, $0x1;
	[smem:$0x7FF] =	sst s3;
	s8 =	sshrl.u32 s10, $0x2  }
0x7: {  	s10 =	sand.u32 $0x3, s10;
	s6 =	ssub.s32 $0x2, s4;
	s5 =	sand.u32 $0x6, s5  }
0x8: {  	_ =	strace $0x80000047;
	s11 =	sshll.u32 s8, $0x4;
	s10 =	sshll.u32 s10, $0xB  }
0x9: {  	s8 =	smul.u32 $0x600000, s8;
	s5 =	sor.u32 s4, s5;
	s4 =	sshll.u32 s4, $0xA  }
0xa: {  	s7 =	sshrl.u32 s6, $0x1;
	s9 =	sshll.u32 s5, $0x9;
	s4 =	sor.u32 s4, s10  }
0xb: {  	s13 =	smul.u32 $0xC0000, s5;
	s15 =	ssub.s32 s6, s7;
	s6 =	sadd.s32 $0x100, s2  }
0xc: {  	s7 =	sadd.s32 $0x200, s2;
	s10 =	simm.s32 $0x13400;
	s9 =	sor.u32 s11, s9  }
0xd: {  	s14 =	sor.u32 $0x80, s4;
	s4 =	sshrl.u32 s4, $0x3;
	s31 =	smax.u32 s15, $0x1  }
0xe: {  	s15 =	simm.s32 $0x10C00;
	s11 =	simm.s32 $0x13C00;
	s12 =	sadd.s32 s0, s9  }
0xf: {  	s5 =	sshrl.u32 s14, $0x3;
	s0 =	sadd.s32 s8, s13;
	s4 =	smul.u32 $0x1800, s4  }
0x10: {  	[dreg:$0xe] =	wrdreg s31;
	s14 =	simm.s32 $0x10400;
	s9 =	simm.s32 $0x12C00  }
0x11: {  	[dreg:$0x8] =	wrdreg s12;
	s16 =	sadd.s32 $0x40, s12;
	s5 =	smul.u32 $0x1800, s5  }
0x12: {  	s0 =	sshrl.u32 s0, $0x3;
	s12 =	simm.s32 $0xC400;
	[dreg:$0x9] =	wrdreg s16  }
0x13: {  	s17 =	sadd.s32 s1, s0;
	s4 =	sadd.s32 s4, s8;
	s16 =	simm.s32 $0x400  }
0x14: {  	s18 =	sadd.s32 s5, s8;
	s19 =	sadd.s32 $0x15C00, s17;
	s20 =	sadd.s32 $0x16800, s17  }
0x15: {  	s21 =	sor.u32 $0x6000, s4;
	s23 =	sor.u32 $0xC000, s4;
	[dreg:$0xa] =	wrdreg s17  }
0x16: {  	s4 =	sor.u32 $0x12000, s4;
	s25 =	sadd.s32 $0x17400, s17;
	[dreg:$0xb] =	wrdreg s19  }
0x17: {  	s8 =	simm.s32 $0x2;
	s0 =	sshrl.u32 s18, $0x3;
	[dreg:$0xc] =	wrdreg s20  }
0x18: {  	s22 =	sshrl.u32 s21, $0x3;
	s5 =	sshrl.u32 s23, $0x3;
	s4 =	sshrl.u32 s4, $0x3  }
0x19: {  	[dreg:$0xd] =	wrdreg s25;
	s19 =	simm.s32 $0x14400;
	s20 =	simm.s32 $0x14C00  }
0x1a: {  	s21 =	simm.s32 $0x15400;
	s23 =	simm.s32 $0x16400;
	s0 =	sadd.s32 s0, s1  }
0x1b: {  	s25 =	simm.s32 $0x17400;
	s24 =	sadd.s32 s5, s1;
	[dreg:$0x4] =	wrdreg s0  }
0x1c: {  	s26 =	sadd.s32 s4, s1;
	s5 =	simm.s32 $0x11400;
	[dreg:$0x6] =	wrdreg s24  }
0x1d: {  	v2 =	vlaneseq.u32;
	s4 =	simm.s32 $0x11C00;
	s0 =	sadd.s32 s22, s1;
	[dreg:$0x7] =	wrdreg s26  }
0x1e: {  	vm0 =	vmmov $0xffff;
	v1 =	vshrl.u32 v2, $0x3;
	s26 =	simm.s32 $0x1;
	s1 =	simm.s32 $0xFC00;
	s22 =	simm.s32 $0x15C00  }
0x1f: {  	v0 =	vand.u32 $0x7, v2;
	v2 =	vor.u32 $0x8, v2;
	v1 =	vmul.u32 $0x8, v1;
	s24 =	simm.s32 $0x16C00;
	[dreg:$0x5] =	wrdreg s0;
	s0 =	simm.s32 $0x0  }
.LBB2_1:
0x20: {  	[dreg:$0xf] =	wrdreg s0  }
0x21: {  	s13 =	rddreg [dreg:$0x8];
	s31 =	simm.s32 $0x4  }
0x22: {  	[tilespmem:s3], [sflag:$0x4] =	stream.linear.gather [hbm4b:s13+s3], $0x80, $0x38;
	[tilespmem:$0x18400] =	vst v63  }
0x23: {  	_ =	swait.ge [sflag:s31], $0x80  }
0x24: {  	s17 =	simm.s32 $0x200;
	[sflag:s31] =	ssyncset.done $0x0  }
0x25: {  	s18 =	simm.s32 $0x80;
	s0 =	rddreg [dreg:$0x9];
	[sflag:s31] =	ssyncadd.s32 $0xFFFFFF80  }
0x26: {  	[tilespmem:s18], [sflag:$0x3] =	stream.strided.gather [hbm4b:s0+s18], $0x380, s17, s18, $0x38;
	[tilespmem:$0x18400] =	vst v63  }
0x27: {  	v3 =	vld [tilespmem:$0x0];
	_ =	sdelay $0x4  }
0x28: {  	v4 =	vshrl.u32 v3, $0x3  }
0x29: {  	v4 =	vmul.u32 $0x30, v4  }
0x2a: {  	v3 =	vand.u32 $0x7, v3  }
0x2b: {  	v3 =	vor.u32 v3, v4  }
0x2c: {  	v4 =	vperm.xlane v3, v0;
	_ =	sdelay $0x1  }
0x2d: {  	v4 =	vadd.s32 v1, v4;
	_ =	sdelay $0x3  }
0x2e: {  	v3 =	vperm.xlane v3, v2  }
0x2f: {  	[tilespmem:s16], [sflag:$0x1] =	stream.indirect_vreg.gather [hbm4b:s2+s3], $0x80, v4, vm0, $0xb8;
	[tilespmem:$0x18400] =	vst v63  }
0x30: {  	s31 =	simm.s32 $0xC00;
	v3 =	vadd.s32 v1, v3  }
0x31: {  	[tilespmem:s31], [sflag:$0x1] =	stream.indirect_vreg.gather [hbm4b:s6+s3], $0x80, v4, vm0, $0xb8;
	[tilespmem:$0x18400] =	vst v63  }
0x32: {  	s13 =	simm.s32 $0x1400  }
0x33: {  	[tilespmem:s13], [sflag:$0x1] =	stream.indirect_vreg.gather [hbm4b:s7+s3], $0x80, v4, vm0, $0xb8;
	[tilespmem:$0x18400] =	vst v63  }
0x34: {  	s17 =	simm.s32 $0x1C00  }
0x35: {  	[tilespmem:s17], [sflag:$0x1] =	stream.indirect_vreg.gather [hbm4b:s2+s3], $0x80, v3, vm0, $0xb8;
	[tilespmem:$0x18400] =	vst v63  }
0x36: {  	s18 =	simm.s32 $0x2400  }
0x37: {  	[tilespmem:s18], [sflag:$0x1] =	stream.indirect_vreg.gather [hbm4b:s6+s3], $0x80, v3, vm0, $0xb8;
	[tilespmem:$0x18400] =	vst v63  }
0x38: {  	s31 =	simm.s32 $0x2C00  }
0x39: {  	[tilespmem:s31], [sflag:$0x1] =	stream.indirect_vreg.gather [hbm4b:s7+s3], $0x80, v3, vm0, $0xb8;
	[tilespmem:$0x18400] =	vst v63  }
0x3a: {  	v3 =	vld [tilespmem:$0x10];
	_ =	sdelay $0x4  }
0x3b: {  	v57 =	vshrl.u32 v3, $0x3  }
0x3c: {  	v4 =	vmul.u32 $0x30, v57  }
0x3d: {  	v3 =	vand.u32 $0x7, v3  }
0x3e: {  	v3 =	vor.u32 v3, v4  }
0x3f: {  	v4 =	vperm.xlane v3, v0;
	_ =	sdelay $0x1  }
0x40: {  	v4 =	vadd.s32 v1, v4;
	_ =	sdelay $0x3  }
0x41: {  	s13 =	simm.s32 $0x3400;
	v3 =	vperm.xlane v3, v2  }
0x42: {  	[tilespmem:s13], [sflag:$0x1] =	stream.indirect_vreg.gather [hbm4b:s2+s3], $0x80, v4, vm0, $0xb8;
	[tilespmem:$0x18400] =	vst v63  }
0x43: {  	s17 =	simm.s32 $0x3C00;
	v3 =	vadd.s32 v1, v3  }
0x44: {  	[tilespmem:s17], [sflag:$0x1] =	stream.indirect_vreg.gather [hbm4b:s6+s3], $0x80, v4, vm0, $0xb8;
	[tilespmem:$0x18400] =	vst v63  }
0x45: {  	s18 =	simm.s32 $0x4400  }
0x46: {  	[tilespmem:s18], [sflag:$0x1] =	stream.indirect_vreg.gather [hbm4b:s7+s3], $0x80, v4, vm0, $0xb8;
	[tilespmem:$0x18400] =	vst v63  }
0x47: {  	s31 =	simm.s32 $0x4C00  }
0x48: {  	[tilespmem:s31], [sflag:$0x1] =	stream.indirect_vreg.gather [hbm4b:s2+s3], $0x80, v3, vm0, $0xb8;
	[tilespmem:$0x18400] =	vst v63  }
0x49: {  	s13 =	simm.s32 $0x5400  }
0x4a: {  	[tilespmem:s13], [sflag:$0x1] =	stream.indirect_vreg.gather [hbm4b:s6+s3], $0x80, v3, vm0, $0xb8;
	[tilespmem:$0x18400] =	vst v63  }
0x4b: {  	s17 =	simm.s32 $0x5C00  }
0x4c: {  	[tilespmem:s17], [sflag:$0x1] =	stream.indirect_vreg.gather [hbm4b:s7+s3], $0x80, v3, vm0, $0xb8;
	[tilespmem:$0x18400] =	vst v63  }
0x4d: {  	v3 =	vld [tilespmem:$0x20];
	_ =	sdelay $0x4  }
0x4e: {  	v58 =	vshrl.u32 v3, $0x3  }
0x4f: {  	v4 =	vmul.u32 $0x30, v58  }
0x50: {  	v3 =	vand.u32 $0x7, v3  }
0x51: {  	v3 =	vor.u32 v3, v4  }
0x52: {  	v4 =	vperm.xlane v3, v0;
	_ =	sdelay $0x1  }
0x53: {  	v4 =	vadd.s32 v1, v4;
	_ =	sdelay $0x3  }
0x54: {  	v3 =	vperm.xlane v3, v2  }
0x55: {  	[tilespmem:s29], [sflag:$0x1] =	stream.indirect_vreg.gather [hbm4b:s2+s3], $0x80, v4, vm0, $0xb8;
	[tilespmem:$0x18400] =	vst v63  }
0x56: {  	s18 =	simm.s32 $0x6C00;
	v3 =	vadd.s32 v1, v3  }
0x57: {  	[tilespmem:s18], [sflag:$0x1] =	stream.indirect_vreg.gather [hbm4b:s6+s3], $0x80, v4, vm0, $0xb8;
	[tilespmem:$0x18400] =	vst v63  }
0x58: {  	s31 =	simm.s32 $0x7400  }
0x59: {  	[tilespmem:s31], [sflag:$0x1] =	stream.indirect_vreg.gather [hbm4b:s7+s3], $0x80, v4, vm0, $0xb8;
	[tilespmem:$0x18400] =	vst v63  }
0x5a: {  	s13 =	simm.s32 $0x7C00  }
0x5b: {  	[tilespmem:s13], [sflag:$0x1] =	stream.indirect_vreg.gather [hbm4b:s2+s3], $0x80, v3, vm0, $0xb8;
	[tilespmem:$0x18400] =	vst v63  }
0x5c: {  	s17 =	simm.s32 $0x8400  }
0x5d: {  	[tilespmem:s17], [sflag:$0x1] =	stream.indirect_vreg.gather [hbm4b:s6+s3], $0x80, v3, vm0, $0xb8;
	[tilespmem:$0x18400] =	vst v63  }
0x5e: {  	s18 =	simm.s32 $0x8C00  }
0x5f: {  	[tilespmem:s18], [sflag:$0x1] =	stream.indirect_vreg.gather [hbm4b:s7+s3], $0x80, v3, vm0, $0xb8;
	[tilespmem:$0x18400] =	vst v63  }
0x60: {  	v3 =	vld [tilespmem:$0x30];
	_ =	sdelay $0x4  }
0x61: {  	v59 =	vshrl.u32 v3, $0x3  }
0x62: {  	v4 =	vmul.u32 $0x30, v59  }
0x63: {  	v3 =	vand.u32 $0x7, v3  }
0x64: {  	v3 =	vor.u32 v3, v4  }
0x65: {  	v4 =	vperm.xlane v3, v0;
	_ =	sdelay $0x1  }
0x66: {  	v4 =	vadd.s32 v1, v4;
	_ =	sdelay $0x3  }
0x67: {  	s31 =	simm.s32 $0x9400;
	v3 =	vperm.xlane v3, v2  }
0x68: {  	[tilespmem:s31], [sflag:$0x1] =	stream.indirect_vreg.gather [hbm4b:s2+s3], $0x80, v4, vm0, $0xb8;
	[tilespmem:$0x18400] =	vst v63  }
0x69: {  	s13 =	simm.s32 $0x9C00;
	v3 =	vadd.s32 v1, v3  }
0x6a: {  	[tilespmem:s13], [sflag:$0x1] =	stream.indirect_vreg.gather [hbm4b:s6+s3], $0x80, v4, vm0, $0xb8;
	[tilespmem:$0x18400] =	vst v63  }
0x6b: {  	s17 =	simm.s32 $0xA400  }
0x6c: {  	[tilespmem:s17], [sflag:$0x1] =	stream.indirect_vreg.gather [hbm4b:s7+s3], $0x80, v4, vm0, $0xb8;
	[tilespmem:$0x18400] =	vst v63  }
0x6d: {  	s18 =	simm.s32 $0xAC00  }
0x6e: {  	[tilespmem:s18], [sflag:$0x1] =	stream.indirect_vreg.gather [hbm4b:s2+s3], $0x80, v3, vm0, $0xb8;
	[tilespmem:$0x18400] =	vst v63  }
0x6f: {  	s31 =	simm.s32 $0xB400  }
0x70: {  	[tilespmem:s31], [sflag:$0x1] =	stream.indirect_vreg.gather [hbm4b:s6+s3], $0x80, v3, vm0, $0xb8;
	[tilespmem:$0x18400] =	vst v63  }
0x71: {  	s13 =	simm.s32 $0xBC00  }
0x72: {  	[tilespmem:s13], [sflag:$0x1] =	stream.indirect_vreg.gather [hbm4b:s7+s3], $0x80, v3, vm0, $0xb8;
	[tilespmem:$0x18400] =	vst v63  }
0x73: {  	v3 =	vld [tilespmem:$0x40];
	_ =	sdelay $0x4  }
0x74: {  	v60 =	vshrl.u32 v3, $0x3  }
0x75: {  	v4 =	vmul.u32 $0x30, v60  }
0x76: {  	v3 =	vand.u32 $0x7, v3  }
0x77: {  	v3 =	vor.u32 v3, v4  }
0x78: {  	v4 =	vperm.xlane v3, v0;
	_ =	sdelay $0x1  }
0x79: {  	v4 =	vadd.s32 v1, v4;
	_ =	sdelay $0x3  }
0x7a: {  	v3 =	vperm.xlane v3, v2  }
0x7b: {  	[tilespmem:s12], [sflag:$0x1] =	stream.indirect_vreg.gather [hbm4b:s2+s3], $0x80, v4, vm0, $0xb8;
	[tilespmem:$0x18400] =	vst v63  }
0x7c: {  	s17 =	simm.s32 $0xCC00;
	v3 =	vadd.s32 v1, v3  }
0x7d: {  	[tilespmem:s17], [sflag:$0x1] =	stream.indirect_vreg.gather [hbm4b:s6+s3], $0x80, v4, vm0, $0xb8;
	[tilespmem:$0x18400] =	vst v63  }
0x7e: {  	s18 =	simm.s32 $0xD400  }
0x7f: {  	[tilespmem:s18], [sflag:$0x1] =	stream.indirect_vreg.gather [hbm4b:s7+s3], $0x80, v4, vm0, $0xb8;
	[tilespmem:$0x18400] =	vst v63  }
0x80: {  	s31 =	simm.s32 $0xDC00  }
0x81: {  	[tilespmem:s31], [sflag:$0x1] =	stream.indirect_vreg.gather [hbm4b:s2+s3], $0x80, v3, vm0, $0xb8;
	[tilespmem:$0x18400] =	vst v63  }
0x82: {  	s13 =	simm.s32 $0xE400  }
0x83: {  	[tilespmem:s13], [sflag:$0x1] =	stream.indirect_vreg.gather [hbm4b:s6+s3], $0x80, v3, vm0, $0xb8;
	[tilespmem:$0x18400] =	vst v63  }
0x84: {  	s17 =	simm.s32 $0xEC00  }
0x85: {  	[tilespmem:s17], [sflag:$0x1] =	stream.indirect_vreg.gather [hbm4b:s7+s3], $0x80, v3, vm0, $0xb8;
	[tilespmem:$0x18400] =	vst v63  }
0x86: {  	v3 =	vld [tilespmem:$0x50];
	_ =	sdelay $0x4  }
0x87: {  	v61 =	vshrl.u32 v3, $0x3  }
0x88: {  	v4 =	vmul.u32 $0x30, v61  }
0x89: {  	v3 =	vand.u32 $0x7, v3  }
0x8a: {  	v3 =	vor.u32 v3, v4  }
0x8b: {  	v4 =	vperm.xlane v3, v0;
	_ =	sdelay $0x1  }
0x8c: {  	v4 =	vadd.s32 v1, v4;
	_ =	sdelay $0x3  }
0x8d: {  	s0 =	simm.s32 $0xF400;
	v3 =	vperm.xlane v3, v2  }
0x8e: {  	[tilespmem:s0], [sflag:$0x1] =	stream.indirect_vreg.gather [hbm4b:s2+s3], $0x80, v4, vm0, $0xb8;
	[tilespmem:$0x18400] =	vst v63  }
0x8f: {  	v3 =	vadd.s32 v1, v3  }
0x90: {  	[tilespmem:s1], [sflag:$0x1] =	stream.indirect_vreg.gather [hbm4b:s6+s3], $0x80, v4, vm0, $0xb8;
	[tilespmem:$0x18400] =	vst v63  }
0x91: {  	_ = 	snop  }
0x92: {  	[tilespmem:s14], [sflag:$0x1] =	stream.indirect_vreg.gather [hbm4b:s7+s3], $0x80, v4, vm0, $0xb8;
	[tilespmem:$0x18400] =	vst v63  }
0x93: {  	_ = 	snop  }
0x94: {  	[tilespmem:s15], [sflag:$0x1] =	stream.indirect_vreg.gather [hbm4b:s2+s3], $0x80, v3, vm0, $0xb8;
	[tilespmem:$0x18400] =	vst v63  }
0x95: {  	_ = 	snop  }
0x96: {  	[tilespmem:s5], [sflag:$0x1] =	stream.indirect_vreg.gather [hbm4b:s6+s3], $0x80, v3, vm0, $0xb8;
	[tilespmem:$0x18400] =	vst v63  }
0x97: {  	_ = 	snop  }
0x98: {  	[tilespmem:s4], [sflag:$0x1] =	stream.indirect_vreg.gather [hbm4b:s7+s3], $0x80, v3, vm0, $0xb8;
	[tilespmem:$0x18400] =	vst v63  }
0x99: {  	_ =	swait.ge [sflag:s26], $0x6000  }
0x9a: {  	[sflag:s26] =	ssyncset.done $0x0  }
0x9b: {  	[sflag:s26] =	ssyncadd.s32 $0xFFFFA000  }
0x9c: {  	v3 =	vld [tilespmem:$0x60];
	_ =	sdelay $0x4  }
0x9d: {  	v62 =	vshrl.u32 v3, $0x3  }
0x9e: {  	v4 =	vmul.u32 $0x30, v62  }
0x9f: {  	v3 =	vand.u32 $0x7, v3  }
0xa0: {  	v3 =	vor.u32 v3, v4  }
0xa1: {  	v4 =	vperm.xlane v3, v0;
	_ =	sdelay $0x1  }
0xa2: {  	v4 =	vadd.s32 v1, v4;
	_ =	sdelay $0x3  }
0xa3: {  	v3 =	vperm.xlane v3, v2  }
0xa4: {  	[tilespmem:s28], [sflag:$0x1] =	stream.indirect_vreg.gather [hbm4b:s2+s3], $0x80, v4, vm0, $0xb8;
	[tilespmem:$0x18400] =	vst v63  }
0xa5: {  	v3 =	vadd.s32 v1, v3  }
0xa6: {  	[tilespmem:s9], [sflag:$0x1] =	stream.indirect_vreg.gather [hbm4b:s6+s3], $0x80, v4, vm0, $0xb8;
	[tilespmem:$0x18400] =	vst v63  }
0xa7: {  	_ = 	snop  }
0xa8: {  	[tilespmem:s10], [sflag:$0x1] =	stream.indirect_vreg.gather [hbm4b:s7+s3], $0x80, v4, vm0, $0xb8;
	[tilespmem:$0x18400] =	vst v63  }
0xa9: {  	_ = 	snop  }
0xaa: {  	[tilespmem:s11], [sflag:$0x1] =	stream.indirect_vreg.gather [hbm4b:s2+s3], $0x80, v3, vm0, $0xb8;
	[tilespmem:$0x18400] =	vst v63  }
0xab: {  	_ = 	snop  }
0xac: {  	[tilespmem:s19], [sflag:$0x1] =	stream.indirect_vreg.gather [hbm4b:s6+s3], $0x80, v3, vm0, $0xb8;
	[tilespmem:$0x18400] =	vst v63  }
0xad: {  	_ = 	snop  }
0xae: {  	[tilespmem:s20], [sflag:$0x1] =	stream.indirect_vreg.gather [hbm4b:s7+s3], $0x80, v3, vm0, $0xb8;
	[tilespmem:$0x18400] =	vst v63  }
0xaf: {  	v3 =	vld [tilespmem:$0x70];
	_ =	sdelay $0x4  }
0xb0: {  	v63 =	vshrl.u32 v3, $0x3  }
0xb1: {  	v4 =	vmul.u32 $0x30, v63  }
0xb2: {  	v3 =	vand.u32 $0x7, v3  }
0xb3: {  	v3 =	vor.u32 v3, v4  }
0xb4: {  	v4 =	vperm.xlane v3, v0;
	_ =	sdelay $0x1  }
0xb5: {  	v4 =	vadd.s32 v1, v4;
	_ =	sdelay $0x3  }
0xb6: {  	v3 =	vperm.xlane v3, v2  }
0xb7: {  	[tilespmem:s21], [sflag:$0x1] =	stream.indirect_vreg.gather [hbm4b:s2+s3], $0x80, v4, vm0, $0xb8;
	[tilespmem:$0x18400] =	vst v63  }
0xb8: {  	v3 =	vadd.s32 v1, v3  }
0xb9: {  	[tilespmem:s22], [sflag:$0x1] =	stream.indirect_vreg.gather [hbm4b:s6+s3], $0x80, v4, vm0, $0xb8;
	[tilespmem:$0x18400] =	vst v63  }
0xba: {  	_ = 	snop  }
0xbb: {  	[tilespmem:s23], [sflag:$0x1] =	stream.indirect_vreg.gather [hbm4b:s7+s3], $0x80, v4, vm0, $0xb8;
	[tilespmem:$0x18400] =	vst v63  }
0xbc: {  	_ = 	snop  }
0xbd: {  	[tilespmem:s24], [sflag:$0x1] =	stream.indirect_vreg.gather [hbm4b:s2+s3], $0x80, v3, vm0, $0xb8;
	[tilespmem:$0x18400] =	vst v63  }
0xbe: {  	_ = 	snop  }
0xbf: {  	[tilespmem:s25], [sflag:$0x1] =	stream.indirect_vreg.gather [hbm4b:s6+s3], $0x80, v3, vm0, $0xb8;
	[tilespmem:$0x18400] =	vst v63  }
0xc0: {  	_ = 	snop  }
0xc1: {  	[tilespmem:s30], [sflag:$0x1] =	stream.indirect_vreg.gather [hbm4b:s7+s3], $0x80, v3, vm0, $0xb8;
	[tilespmem:$0x18400] =	vst v63  }
0xc2: {  	s31 =	simm.s32 $0x3;
	s18 =	rddreg [dreg:$0xa]  }
0xc3: {  	[hbm4b:s18+s3] =	stream.linear.scatter [tilespmem:s16], [sflag:$0x2], $0x6000, $0x38;
	[tilespmem:$0x18400] =	vst v63  }
0xc4: {  	_ =	swait.ge [sflag:s31], $0x380  }
0xc5: {  	[sflag:s31] =	ssyncset.done $0x0  }
0xc6: {  	s13 =	simm.s32 $0xF0;
	s17 =	simm.s32 $0x0;
	[sflag:s31] =	ssyncadd.s32 $0xFFFFFC80  }
.LBB2_2:
0xc7: {  	_ =	swait.ge [sflag:s26], $0x6000  }
0xc8: {  	[sflag:s26] =	ssyncset.done $0x0  }
0xc9: {  	[sflag:s26] =	ssyncadd.s32 $0xFFFFA000  }
0xca: {  	_ =	swait.ge [sflag:s8], $0x6000  }
0xcb: {  	[sflag:s8] =	ssyncset.done $0x0  }
0xcc: {  	[sflag:s8] =	ssyncadd.s32 $0xFFFFA000  }
0xcd: {  	v3 =	vld [tilespmem:s13+$0xFFFFFF90];
	_ =	sdelay $0x4  }
0xce: {  	v4 =	vshrl.u32 v3, $0x3  }
0xcf: {  	v4 =	vmul.u32 $0x30, v4  }
0xd0: {  	v3 =	vand.u32 $0x7, v3  }
0xd1: {  	v3 =	vor.u32 v3, v4  }
0xd2: {  	v4 =	vperm.xlane v3, v0;
	_ =	sdelay $0x1  }
0xd3: {  	v4 =	vadd.s32 v1, v4;
	_ =	sdelay $0x3  }
0xd4: {  	v3 =	vperm.xlane v3, v2  }
0xd5: {  	[tilespmem:s16], [sflag:$0x1] =	stream.indirect_vreg.gather [hbm4b:s2+s3], $0x80, v4, vm0, $0xb8;
	[tilespmem:$0x18400] =	vst v63  }
0xd6: {  	s18 =	simm.s32 $0xC00;
	v3 =	vadd.s32 v1, v3  }
0xd7: {  	[tilespmem:s18], [sflag:$0x1] =	stream.indirect_vreg.gather [hbm4b:s6+s3], $0x80, v4, vm0, $0xb8;
	[tilespmem:$0x18400] =	vst v63  }
0xd8: {  	s31 =	simm.s32 $0x1400  }
0xd9: {  	[tilespmem:s31], [sflag:$0x1] =	stream.indirect_vreg.gather [hbm4b:s7+s3], $0x80, v4, vm0, $0xb8;
	[tilespmem:$0x18400] =	vst v63  }
0xda: {  	s31 =	simm.s32 $0x1C00  }
0xdb: {  	[tilespmem:s31], [sflag:$0x1] =	stream.indirect_vreg.gather [hbm4b:s2+s3], $0x80, v3, vm0, $0xb8;
	[tilespmem:$0x18400] =	vst v63  }
0xdc: {  	s31 =	simm.s32 $0x2400  }
0xdd: {  	[tilespmem:s31], [sflag:$0x1] =	stream.indirect_vreg.gather [hbm4b:s6+s3], $0x80, v3, vm0, $0xb8;
	[tilespmem:$0x18400] =	vst v63  }
0xde: {  	s31 =	simm.s32 $0x2C00  }
0xdf: {  	[tilespmem:s31], [sflag:$0x1] =	stream.indirect_vreg.gather [hbm4b:s7+s3], $0x80, v3, vm0, $0xb8;
	[tilespmem:$0x18400] =	vst v63  }
0xe0: {  	v3 =	vld [tilespmem:s13+$0xFFFFFFA0];
	_ =	sdelay $0x4  }
0xe1: {  	v57 =	vshrl.u32 v3, $0x3  }
0xe2: {  	v4 =	vmul.u32 $0x30, v57  }
0xe3: {  	v3 =	vand.u32 $0x7, v3  }
0xe4: {  	v3 =	vor.u32 v3, v4  }
0xe5: {  	v4 =	vperm.xlane v3, v0;
	_ =	sdelay $0x1  }
0xe6: {  	v4 =	vadd.s32 v1, v4;
	_ =	sdelay $0x3  }
0xe7: {  	s31 =	simm.s32 $0x3400;
	v3 =	vperm.xlane v3, v2  }
0xe8: {  	[tilespmem:s31], [sflag:$0x1] =	stream.indirect_vreg.gather [hbm4b:s2+s3], $0x80, v4, vm0, $0xb8;
	[tilespmem:$0x18400] =	vst v63  }
0xe9: {  	v3 =	vadd.s32 v1, v3;
	s31 =	simm.s32 $0x3C00  }
0xea: {  	[tilespmem:s31], [sflag:$0x1] =	stream.indirect_vreg.gather [hbm4b:s6+s3], $0x80, v4, vm0, $0xb8;
	[tilespmem:$0x18400] =	vst v63  }
0xeb: {  	s31 =	simm.s32 $0x4400  }
0xec: {  	[tilespmem:s31], [sflag:$0x1] =	stream.indirect_vreg.gather [hbm4b:s7+s3], $0x80, v4, vm0, $0xb8;
	[tilespmem:$0x18400] =	vst v63  }
0xed: {  	s31 =	simm.s32 $0x4C00  }
0xee: {  	[tilespmem:s31], [sflag:$0x1] =	stream.indirect_vreg.gather [hbm4b:s2+s3], $0x80, v3, vm0, $0xb8;
	[tilespmem:$0x18400] =	vst v63  }
0xef: {  	s31 =	simm.s32 $0x5400  }
0xf0: {  	[tilespmem:s31], [sflag:$0x1] =	stream.indirect_vreg.gather [hbm4b:s6+s3], $0x80, v3, vm0, $0xb8;
	[tilespmem:$0x18400] =	vst v63  }
0xf1: {  	s18 =	rddreg [dreg:$0x5];
	s31 =	simm.s32 $0x5C00  }
0xf2: {  	[tilespmem:s31], [sflag:$0x1] =	stream.indirect_vreg.gather [hbm4b:s7+s3], $0x80, v3, vm0, $0xb8;
	[tilespmem:$0x18400] =	vst v63  }
0xf3: {  	s18 =	sadd.s32 s17, s18  }
0xf4: {  	[hbm4b:s18+s3] =	stream.linear.scatter [tilespmem:s29], [sflag:$0x2], $0x6000, $0x38;
	[tilespmem:$0x18400] =	vst v63  }
0xf5: {  	_ =	swait.ge [sflag:s26], $0x6000  }
0xf6: {  	[sflag:s26] =	ssyncset.done $0x0  }
0xf7: {  	[sflag:s26] =	ssyncadd.s32 $0xFFFFA000  }
0xf8: {  	_ =	swait.ge [sflag:s8], $0x6000  }
0xf9: {  	[sflag:s8] =	ssyncset.done $0x0  }
0xfa: {  	[sflag:s8] =	ssyncadd.s32 $0xFFFFA000  }
0xfb: {  	v3 =	vld [tilespmem:s13+$0xFFFFFFB0];
	_ =	sdelay $0x4  }
0xfc: {  	v58 =	vshrl.u32 v3, $0x3  }
0xfd: {  	v4 =	vmul.u32 $0x30, v58  }
0xfe: {  	v3 =	vand.u32 $0x7, v3  }
0xff: {  	v3 =	vor.u32 v3, v4  }
0x100: {  	v4 =	vperm.xlane v3, v0;
	_ =	sdelay $0x1  }
0x101: {  	v4 =	vadd.s32 v1, v4;
	_ =	sdelay $0x3  }
0x102: {  	v3 =	vperm.xlane v3, v2  }
0x103: {  	[tilespmem:s29], [sflag:$0x1] =	stream.indirect_vreg.gather [hbm4b:s2+s3], $0x80, v4, vm0, $0xb8;
	[tilespmem:$0x18400] =	vst v63  }
0x104: {  	s31 =	simm.s32 $0x6C00;
	v3 =	vadd.s32 v1, v3  }
0x105: {  	[tilespmem:s31], [sflag:$0x1] =	stream.indirect_vreg.gather [hbm4b:s6+s3], $0x80, v4, vm0, $0xb8;
	[tilespmem:$0x18400] =	vst v63  }
0x106: {  	s31 =	simm.s32 $0x7400  }
0x107: {  	[tilespmem:s31], [sflag:$0x1] =	stream.indirect_vreg.gather [hbm4b:s7+s3], $0x80, v4, vm0, $0xb8;
	[tilespmem:$0x18400] =	vst v63  }
0x108: {  	s31 =	simm.s32 $0x7C00  }
0x109: {  	[tilespmem:s31], [sflag:$0x1] =	stream.indirect_vreg.gather [hbm4b:s2+s3], $0x80, v3, vm0, $0xb8;
	[tilespmem:$0x18400] =	vst v63  }
0x10a: {  	s31 =	simm.s32 $0x8400  }
0x10b: {  	[tilespmem:s31], [sflag:$0x1] =	stream.indirect_vreg.gather [hbm4b:s6+s3], $0x80, v3, vm0, $0xb8;
	[tilespmem:$0x18400] =	vst v63  }
0x10c: {  	s31 =	simm.s32 $0x8C00  }
0x10d: {  	[tilespmem:s31], [sflag:$0x1] =	stream.indirect_vreg.gather [hbm4b:s7+s3], $0x80, v3, vm0, $0xb8;
	[tilespmem:$0x18400] =	vst v63  }
0x10e: {  	v3 =	vld [tilespmem:s13+$0xFFFFFFC0];
	_ =	sdelay $0x4  }
0x10f: {  	v59 =	vshrl.u32 v3, $0x3  }
0x110: {  	v4 =	vmul.u32 $0x30, v59  }
0x111: {  	v3 =	vand.u32 $0x7, v3  }
0x112: {  	v3 =	vor.u32 v3, v4  }
0x113: {  	v4 =	vperm.xlane v3, v0;
	_ =	sdelay $0x1  }
0x114: {  	v4 =	vadd.s32 v1, v4;
	_ =	sdelay $0x3  }
0x115: {  	s31 =	simm.s32 $0x9400;
	v3 =	vperm.xlane v3, v2  }
0x116: {  	[tilespmem:s31], [sflag:$0x1] =	stream.indirect_vreg.gather [hbm4b:s2+s3], $0x80, v4, vm0, $0xb8;
	[tilespmem:$0x18400] =	vst v63  }
0x117: {  	v3 =	vadd.s32 v1, v3;
	s31 =	simm.s32 $0x9C00  }
0x118: {  	[tilespmem:s31], [sflag:$0x1] =	stream.indirect_vreg.gather [hbm4b:s6+s3], $0x80, v4, vm0, $0xb8;
	[tilespmem:$0x18400] =	vst v63  }
0x119: {  	s31 =	simm.s32 $0xA400  }
0x11a: {  	[tilespmem:s31], [sflag:$0x1] =	stream.indirect_vreg.gather [hbm4b:s7+s3], $0x80, v4, vm0, $0xb8;
	[tilespmem:$0x18400] =	vst v63  }
0x11b: {  	s31 =	simm.s32 $0xAC00  }
0x11c: {  	[tilespmem:s31], [sflag:$0x1] =	stream.indirect_vreg.gather [hbm4b:s2+s3], $0x80, v3, vm0, $0xb8;
	[tilespmem:$0x18400] =	vst v63  }
0x11d: {  	s31 =	simm.s32 $0xB400  }
0x11e: {  	[tilespmem:s31], [sflag:$0x1] =	stream.indirect_vreg.gather [hbm4b:s6+s3], $0x80, v3, vm0, $0xb8;
	[tilespmem:$0x18400] =	vst v63  }
0x11f: {  	s18 =	rddreg [dreg:$0x6];
	s31 =	simm.s32 $0xBC00  }
0x120: {  	[tilespmem:s31], [sflag:$0x1] =	stream.indirect_vreg.gather [hbm4b:s7+s3], $0x80, v3, vm0, $0xb8;
	[tilespmem:$0x18400] =	vst v63  }
0x121: {  	s18 =	sadd.s32 s17, s18  }
0x122: {  	[hbm4b:s18+s3] =	stream.linear.scatter [tilespmem:s12], [sflag:$0x2], $0x6000, $0x38;
	[tilespmem:$0x18400] =	vst v63  }
0x123: {  	_ =	swait.ge [sflag:s26], $0x6000  }
0x124: {  	[sflag:s26] =	ssyncset.done $0x0  }
0x125: {  	[sflag:s26] =	ssyncadd.s32 $0xFFFFA000  }
0x126: {  	_ =	swait.ge [sflag:s8], $0x6000  }
0x127: {  	[sflag:s8] =	ssyncset.done $0x0  }
0x128: {  	[sflag:s8] =	ssyncadd.s32 $0xFFFFA000  }
0x129: {  	v3 =	vld [tilespmem:s13+$0xFFFFFFD0];
	_ =	sdelay $0x4  }
0x12a: {  	v60 =	vshrl.u32 v3, $0x3  }
0x12b: {  	v4 =	vmul.u32 $0x30, v60  }
0x12c: {  	v3 =	vand.u32 $0x7, v3  }
0x12d: {  	v3 =	vor.u32 v3, v4  }
0x12e: {  	v4 =	vperm.xlane v3, v0;
	_ =	sdelay $0x1  }
0x12f: {  	v4 =	vadd.s32 v1, v4;
	_ =	sdelay $0x3  }
0x130: {  	v3 =	vperm.xlane v3, v2  }
0x131: {  	[tilespmem:s12], [sflag:$0x1] =	stream.indirect_vreg.gather [hbm4b:s2+s3], $0x80, v4, vm0, $0xb8;
	[tilespmem:$0x18400] =	vst v63  }
0x132: {  	s31 =	simm.s32 $0xCC00;
	v3 =	vadd.s32 v1, v3  }
0x133: {  	[tilespmem:s31], [sflag:$0x1] =	stream.indirect_vreg.gather [hbm4b:s6+s3], $0x80, v4, vm0, $0xb8;
	[tilespmem:$0x18400] =	vst v63  }
0x134: {  	s31 =	simm.s32 $0xD400  }
0x135: {  	[tilespmem:s31], [sflag:$0x1] =	stream.indirect_vreg.gather [hbm4b:s7+s3], $0x80, v4, vm0, $0xb8;
	[tilespmem:$0x18400] =	vst v63  }
0x136: {  	s31 =	simm.s32 $0xDC00  }
0x137: {  	[tilespmem:s31], [sflag:$0x1] =	stream.indirect_vreg.gather [hbm4b:s2+s3], $0x80, v3, vm0, $0xb8;
	[tilespmem:$0x18400] =	vst v63  }
0x138: {  	s31 =	simm.s32 $0xE400  }
0x139: {  	[tilespmem:s31], [sflag:$0x1] =	stream.indirect_vreg.gather [hbm4b:s6+s3], $0x80, v3, vm0, $0xb8;
	[tilespmem:$0x18400] =	vst v63  }
0x13a: {  	s31 =	simm.s32 $0xEC00  }
0x13b: {  	[tilespmem:s31], [sflag:$0x1] =	stream.indirect_vreg.gather [hbm4b:s7+s3], $0x80, v3, vm0, $0xb8;
	[tilespmem:$0x18400] =	vst v63  }
0x13c: {  	v3 =	vld [tilespmem:s13+$0xFFFFFFE0];
	_ =	sdelay $0x4  }
0x13d: {  	v61 =	vshrl.u32 v3, $0x3  }
0x13e: {  	v4 =	vmul.u32 $0x30, v61  }
0x13f: {  	v3 =	vand.u32 $0x7, v3  }
0x140: {  	v3 =	vor.u32 v3, v4  }
0x141: {  	v4 =	vperm.xlane v3, v0;
	_ =	sdelay $0x1  }
0x142: {  	v4 =	vadd.s32 v1, v4;
	_ =	sdelay $0x3  }
0x143: {  	v3 =	vperm.xlane v3, v2  }
0x144: {  	[tilespmem:s0], [sflag:$0x1] =	stream.indirect_vreg.gather [hbm4b:s2+s3], $0x80, v4, vm0, $0xb8;
	[tilespmem:$0x18400] =	vst v63  }
0x145: {  	v3 =	vadd.s32 v1, v3  }
0x146: {  	[tilespmem:s1], [sflag:$0x1] =	stream.indirect_vreg.gather [hbm4b:s6+s3], $0x80, v4, vm0, $0xb8;
	[tilespmem:$0x18400] =	vst v63  }
0x147: {  	_ = 	snop  }
0x148: {  	[tilespmem:s14], [sflag:$0x1] =	stream.indirect_vreg.gather [hbm4b:s7+s3], $0x80, v4, vm0, $0xb8;
	[tilespmem:$0x18400] =	vst v63  }
0x149: {  	_ = 	snop  }
0x14a: {  	[tilespmem:s15], [sflag:$0x1] =	stream.indirect_vreg.gather [hbm4b:s2+s3], $0x80, v3, vm0, $0xb8;
	[tilespmem:$0x18400] =	vst v63  }
0x14b: {  	_ = 	snop  }
0x14c: {  	[tilespmem:s5], [sflag:$0x1] =	stream.indirect_vreg.gather [hbm4b:s6+s3], $0x80, v3, vm0, $0xb8;
	[tilespmem:$0x18400] =	vst v63  }
0x14d: {  	s31 =	rddreg [dreg:$0x7]  }
0x14e: {  	[tilespmem:s4], [sflag:$0x1] =	stream.indirect_vreg.gather [hbm4b:s7+s3], $0x80, v3, vm0, $0xb8;
	[tilespmem:$0x18400] =	vst v63  }
0x14f: {  	s18 =	sadd.s32 s17, s31  }
0x150: {  	[hbm4b:s18+s3] =	stream.linear.scatter [tilespmem:s28], [sflag:$0x2], $0x6000, $0x38;
	[tilespmem:$0x18400] =	vst v63  }
0x151: {  	_ =	swait.ge [sflag:s26], $0x6000  }
0x152: {  	[sflag:s26] =	ssyncset.done $0x0  }
0x153: {  	[sflag:s26] =	ssyncadd.s32 $0xFFFFA000  }
0x154: {  	_ =	swait.ge [sflag:s8], $0x6000  }
0x155: {  	[sflag:s8] =	ssyncset.done $0x0  }
0x156: {  	[sflag:s8] =	ssyncadd.s32 $0xFFFFA000  }
0x157: {  	v3 =	vld [tilespmem:s13+$0xFFFFFFF0];
	_ =	sdelay $0x4  }
0x158: {  	v62 =	vshrl.u32 v3, $0x3  }
0x159: {  	v4 =	vmul.u32 $0x30, v62  }
0x15a: {  	v3 =	vand.u32 $0x7, v3  }
0x15b: {  	v3 =	vor.u32 v3, v4  }
0x15c: {  	v4 =	vperm.xlane v3, v0;
	_ =	sdelay $0x1  }
0x15d: {  	v4 =	vadd.s32 v1, v4;
	_ =	sdelay $0x3  }
0x15e: {  	v3 =	vperm.xlane v3, v2  }
0x15f: {  	[tilespmem:s28], [sflag:$0x1] =	stream.indirect_vreg.gather [hbm4b:s2+s3], $0x80, v4, vm0, $0xb8;
	[tilespmem:$0x18400] =	vst v63  }
0x160: {  	v3 =	vadd.s32 v1, v3  }
0x161: {  	[tilespmem:s9], [sflag:$0x1] =	stream.indirect_vreg.gather [hbm4b:s6+s3], $0x80, v4, vm0, $0xb8;
	[tilespmem:$0x18400] =	vst v63  }
0x162: {  	_ = 	snop  }
0x163: {  	[tilespmem:s10], [sflag:$0x1] =	stream.indirect_vreg.gather [hbm4b:s7+s3], $0x80, v4, vm0, $0xb8;
	[tilespmem:$0x18400] =	vst v63  }
0x164: {  	_ = 	snop  }
0x165: {  	[tilespmem:s11], [sflag:$0x1] =	stream.indirect_vreg.gather [hbm4b:s2+s3], $0x80, v3, vm0, $0xb8;
	[tilespmem:$0x18400] =	vst v63  }
0x166: {  	_ = 	snop  }
0x167: {  	[tilespmem:s19], [sflag:$0x1] =	stream.indirect_vreg.gather [hbm4b:s6+s3], $0x80, v3, vm0, $0xb8;
	[tilespmem:$0x18400] =	vst v63  }
0x168: {  	_ = 	snop  }
0x169: {  	[tilespmem:s20], [sflag:$0x1] =	stream.indirect_vreg.gather [hbm4b:s7+s3], $0x80, v3, vm0, $0xb8;
	[tilespmem:$0x18400] =	vst v63  }
0x16a: {  	v3 =	vld [tilespmem:s13+$0x0];
	_ =	sdelay $0x4  }
0x16b: {  	v63 =	vshrl.u32 v3, $0x3  }
0x16c: {  	v4 =	vmul.u32 $0x30, v63  }
0x16d: {  	v3 =	vand.u32 $0x7, v3  }
0x16e: {  	v3 =	vor.u32 v3, v4  }
0x16f: {  	v4 =	vperm.xlane v3, v0;
	_ =	sdelay $0x1  }
0x170: {  	v4 =	vadd.s32 v1, v4;
	_ =	sdelay $0x3  }
0x171: {  	v3 =	vperm.xlane v3, v2  }
0x172: {  	[tilespmem:s21], [sflag:$0x1] =	stream.indirect_vreg.gather [hbm4b:s2+s3], $0x80, v4, vm0, $0xb8;
	[tilespmem:$0x18400] =	vst v63  }
0x173: {  	v3 =	vadd.s32 v1, v3  }
0x174: {  	[tilespmem:s22], [sflag:$0x1] =	stream.indirect_vreg.gather [hbm4b:s6+s3], $0x80, v4, vm0, $0xb8;
	[tilespmem:$0x18400] =	vst v63  }
0x175: {  	_ = 	snop  }
0x176: {  	[tilespmem:s23], [sflag:$0x1] =	stream.indirect_vreg.gather [hbm4b:s7+s3], $0x80, v4, vm0, $0xb8;
	[tilespmem:$0x18400] =	vst v63  }
0x177: {  	_ = 	snop  }
0x178: {  	[tilespmem:s24], [sflag:$0x1] =	stream.indirect_vreg.gather [hbm4b:s2+s3], $0x80, v3, vm0, $0xb8;
	[tilespmem:$0x18400] =	vst v63  }
0x179: {  	p0 =	sne.s32 s17, $0x12000  }
0x17a: {  	[tilespmem:s25], [sflag:$0x1] =	stream.indirect_vreg.gather [hbm4b:s6+s3], $0x80, v3, vm0, $0xb8;
	[tilespmem:$0x18400] =	vst v63  }
.Ltmp0:
0x17b: {  	_ = 	snop;
	(pc) =	sbr.rel @p0 .LBB2_2-.Ltmp0, $4  }
0x17c: {  	s31 =	rddreg [dreg:$0x4]  }
0x17d: {  	[tilespmem:s30], [sflag:$0x1] =	stream.indirect_vreg.gather [hbm4b:s7+s3], $0x80, v3, vm0, $0xb8;
	[tilespmem:$0x18400] =	vst v63  }
0x17e: {  	s18 =	sadd.s32 s17, s31;
	s17 =	sadd.s32 $0x3000, s17;
	s13 =	sadd.s32 $0x80, s13  }
0x17f: {  	[hbm4b:s18+s3] =	stream.linear.scatter [tilespmem:s16], [sflag:$0x2], $0x6000, $0x38;
	[tilespmem:$0x18400] =	vst v63  }
0x180: {  	_ =	swait.ge [sflag:s26], $0x6000  }
0x181: {  	[sflag:s26] =	ssyncset.done $0x0  }
0x182: {  	s13 =	rddreg [dreg:$0xb];
	[sflag:s26] =	ssyncadd.s32 $0xFFFFA000  }
0x183: {  	[hbm4b:s13+s3] =	stream.linear.scatter [tilespmem:s29], [sflag:$0x2], $0x6000, $0x38;
	[tilespmem:$0x18400] =	vst v63  }
0x184: {  	_ =	swait.ge [sflag:s26], $0x6000  }
0x185: {  	[sflag:s26] =	ssyncset.done $0x0  }
0x186: {  	s17 =	rddreg [dreg:$0xc];
	[sflag:s26] =	ssyncadd.s32 $0xFFFFA000  }
0x187: {  	[hbm4b:s17+s3] =	stream.linear.scatter [tilespmem:s12], [sflag:$0x2], $0x6000, $0x38;
	[tilespmem:$0x18400] =	vst v63  }
0x188: {  	_ =	swait.ge [sflag:s26], $0x6000  }
0x189: {  	[sflag:s26] =	ssyncset.done $0x0  }
0x18a: {  	s18 =	rddreg [dreg:$0xd];
	[sflag:s26] =	ssyncadd.s32 $0xFFFFA000  }
0x18b: {  	[hbm4b:s18+s3] =	stream.linear.scatter [tilespmem:s28], [sflag:$0x2], $0x6000, $0x38;
	[tilespmem:$0x18400] =	vst v63  }
0x18c: {  	_ =	swait.ge [sflag:s8], $0x6000  }
0x18d: {  	[sflag:s8] =	ssyncset.done $0x0  }
0x18e: {  	[sflag:s8] =	ssyncadd.s32 $0xFFFFA000  }
0x18f: {  	_ =	swait.ge [sflag:s8], $0x6000  }
0x190: {  	[sflag:s8] =	ssyncset.done $0x0  }
0x191: {  	[sflag:s8] =	ssyncadd.s32 $0xFFFFA000  }
0x192: {  	_ =	swait.ge [sflag:s8], $0x6000  }
0x193: {  	[sflag:s8] =	ssyncset.done $0x0  }
0x194: {  	[sflag:s8] =	ssyncadd.s32 $0xFFFFA000  }
0x195: {  	_ =	swait.ge [sflag:s8], $0x6000  }
0x196: {  	s0 =	rddreg [dreg:$0xf]  }
0x197: {  	s31 =	rddreg [dreg:$0xe];
	s0 =	sadd.s32 $0x1, s0  }
0x198: {  	p0 =	sne.s32 s0, s31  }
.Ltmp1:
0x199: {  	_ = 	snop;
	(pc) =	sbr.rel @p0 .LBB2_1-.Ltmp1, $3  }
0x19a: {  	_ =	sdelay $0x1  }
0x19b: {  	[sflag:s8] =	ssyncset.done $0x0  }
0x19c: {  	[sflag:s8] =	ssyncadd.s32 $0xFFFFA000  }
0x19d: {  	_ =	sfence.sel $0x180000  }
0x19e: {  	[bflag:$0x0] =	sbarrier.arrive $0xFFFF  }
0x19f: {  	_ =	strace $0x90000047  }
0x1a0: {  	s0 =	stileid.u32;
	[bflag:$0x2] =	sbarrier.arrive $0xFFFF  }
0x1a1: {  	p0 =	sne.s32 s0, $0x0;
	s0 =	rddreg [dreg:$0x3]  }
0x1a2: {  	s0 =	sadd.s32 @!p0 $0x100000, s0  }
0x1a3: {  	[sflag:s0] =	ssyncadd.tile.s32 @!p0 $0x1;
	_ =	shalt  }
.Lfunc_end2:
_tile_overlayer_lowered:
.L_overlay_start_2:
0x1a4: {  	(tag) =	ssettag $0x2  }
0x1a5: {  	s0 =	rddreg [dreg:$0x0];
	s2 =	stileid.u32  }
0x1a6: {  	s1 =	rddreg [dreg:$0x1];
	p0 =	sne.s32 s2, $0x0  }
0x1a7: {  	s3 =	rddreg [dreg:$0x2];
	[bflag:$0x3] =	sbarrier.arrive $0xFFFF;
	s2 =	simm.s32 @!p0 $0x1C04  }
0x1a8: {  	[timem:s3], [sflag:s2] =	dma.local @!p0 [hbm:s0], s1  }
0x1a9: {  	s0 =	simm.s32 @!p0 $0x4  }
0x1aa: {  	_ =	swait.ge @!p0 [sflag:s0], s1  }
0x1ab: {  	s1 =	ssub.s32 @!p0 $0x0, s1;
	[sflag:s0] =	ssyncset.done @!p0 $0x0  }
0x1ac: {  	[sflag:s0] =	ssyncadd.s32 @!p0 s1  }
0x1ad: {  	[bflag:$0x3] =	sbarrier.arrive $0xFFFF  }
0x1ae: {  	_ =	shalt  }

</sc_bundles>
